<compile_context>
chip_gen: v7x
topology: tpu7x:2x2x1
jax: 0.10.2.dev20260603
libtpu: 0.0.44.dev20260713+nightly
codegen_flags: <defaults>
</compile_context>

<pallas_src>
import functools
import math

import jax
import jax.numpy as jnp
from jax import lax
from jax.experimental import pallas as pl
from jax.experimental.pallas import tpu as pltpu
from jax.experimental.pallas import tpu_sc as plsc

D = 128
T = 50
NSEQ = 4096
NROW = NSEQ * T
SCALE = math.sqrt(float(D))

_info = plsc.get_sparse_core_info()
_NC = _info.num_cores
_NS = _info.num_subcores
_NW = _NC * _NS
_L = _info.num_lanes

ROWS_PER_W = NROW // _NW
CH = 128
NCH = ROWS_PER_W // CH
NBUF = 5

_mesh = plsc.VectorSubcoreMesh(core_axis_name="c", subcore_axis_name="s")


@functools.partial(
    pl.kernel,
    mesh=_mesh,
    out_type=jax.ShapeDtypeStruct((NROW, D), jnp.float32),
    scratch_types=(
        [pltpu.VMEM((ROWS_PER_W,), jnp.int32)]
        + [pltpu.VMEM((CH, D), jnp.float32) for _ in range(NBUF)]
        + [pltpu.SemaphoreType.DMA, pltpu.SemaphoreType.DMA]
    ),
    compiler_params=pltpu.CompilerParams(use_tc_tiling_on_sc=True),
)
def _gather_scale(idx_hbm, table_hbm, out_hbm, idx_v, *rest):
    bufs = rest[:NBUF]
    gsem, osem = rest[NBUF], rest[NBUF + 1]
    wid = lax.axis_index("s") * _NC + lax.axis_index("c")
    base = wid * ROWS_PER_W
    pltpu.sync_copy(idx_hbm.at[pl.ds(base, ROWS_PER_W)], idx_v)

    def gather(c, buf):
        return pltpu.make_async_copy(
            table_hbm.at[idx_v.at[pl.ds(c * CH, CH)]], buf, gsem
        )

    def out_copy(c, buf):
        return pltpu.make_async_copy(
            buf, out_hbm.at[pl.ds(base + c * CH, CH)], osem
        )

    def scale(buf):
        def row_body(r, c2):
            for j in range(D // _L):
                sl = pl.ds(j * _L, _L)
                buf[r, sl] = buf[r, sl] * SCALE
            return c2

        lax.fori_loop(0, CH, row_body, 0, unroll=2)

    for k in range(NBUF - 1):
        gather(k, bufs[k]).start()

    def chunk_body(p, carry):
        for b in range(NBUF):
            c = p * NBUF + b
            buf = bufs[b]
            gather(c, buf).wait()

            t = c + NBUF - 1
            tb = bufs[(b + NBUF - 1) % NBUF]

            @pl.when(t < NCH)
            def _():
                @pl.when(t >= NBUF)
                def _():
                    out_copy(t - NBUF, tb).wait()

                gather(t, tb).start()

            scale(buf)
            out_copy(c, buf).start()
        return carry

    lax.fori_loop(0, NCH // NBUF, chunk_body, 0)
    for k in range(NBUF):
        c = NCH - NBUF + k
        out_copy(c, bufs[c % NBUF]).wait()


def kernel(tokens, table):
    idx = tokens.T.reshape(-1).astype(jnp.int32)
    flat = _gather_scale(idx, table)
    return flat.reshape(T, NSEQ, D).transpose(1, 0, 2)

# --- scband reference (transcript-rebuilt; emitter-appended) ---
"""Pipeline reference for scband-token-embedding-82875688943983 (READ-ONLY COPY).

The authoritative reference and input builder live on the scoring server;
editing this copy changes nothing except your own understanding.
"""

import jax, jax.numpy as jnp
import numpy as np
import math

VOCAB = 100000
EMB = 128

def setup_inputs(seed: int = 0) -> dict:
    key = jax.random.key(seed)
    k1, k2 = jax.random.split(key)
    tokens = jax.random.randint(k1, (4096, 50), 0, VOCAB)
    # learned embedding table per init_kwargs (vocab_size=100000, emb_size=128)
    table = jax.random.normal(k2, (VOCAB, EMB), dtype=jnp.float32)
    return {"tokens": tokens, "table": table}

def reference(tokens, table):
    # TokenEmbedding.forward: embedding lookup scaled by sqrt(emb_size)
    emb = jnp.take(table, tokens.astype(jnp.int32), axis=0)
    return emb * math.sqrt(EMB)

if __name__ == "__main__":
    import jax
    _d = setup_inputs()
    print(jax.jit(kernel)(*tuple(_d.values())))

</pallas_src>

<mosaic_0001>
#map = affine_map<(d0, d1) -> (0)>
#map1 = affine_map<(d0, d1) -> (0, 0)>
module attributes {stable_mosaic.version = 14 : i64} {
  func.func @_gather_scale(%arg0: i32, %arg1: i32, %arg2: memref<204800xi32, #tpu.memory_space<hbm>>, %arg3: memref<100000x128xf32, #tpu.memory_space<hbm>>, %arg4: memref<204800x128xf32, #tpu.memory_space<hbm>>, %arg5: memref<6400xi32, #tpu.memory_space<vmem>>, %arg6: memref<128x128xf32, #tpu.memory_space<vmem>>, %arg7: memref<128x128xf32, #tpu.memory_space<vmem>>, %arg8: memref<128x128xf32, #tpu.memory_space<vmem>>, %arg9: memref<128x128xf32, #tpu.memory_space<vmem>>, %arg10: memref<128x128xf32, #tpu.memory_space<vmem>>, %arg11: memref<!tpu.dma_semaphore, #tpu.memory_space<semaphore_mem>>, %arg12: memref<!tpu.dma_semaphore, #tpu.memory_space<semaphore_mem>>) attributes {dimension_semantics = [#tpu.dimension_semantics<core_parallel>, #tpu.dimension_semantics<subcore_parallel>], iteration_bounds = array<i64: 2, 16>, scalar_prefetch = 0 : i64, scratch_operands = 8 : i64, tpu.core_type = #tpu.core_type<sc_vector_subcore>, window_params = [{transform_indices = #map}, {transform_indices = #map1}, {transform_indices = #map1}]} {
    %mul3A = arith.constant 2 : i32
    %mul3A_0 = arith.muli %arg1, %mul3A : i32
    %add3A = arith.addi %mul3A_0, %arg0 : i32
    %mul3A_1 = arith.constant 6400 : i32
    %mul3A_2 = arith.muli %add3A, %mul3A_1 : i32
    "tpu.region"() ({
      %run_scoped3A = tpu.sem_alloc : memref<!tpu.dma_semaphore, #tpu.memory_space<semaphore_mem>>
      %dma_start3A_56 = tpu.memref_slice %arg2[%mul3A_2] : memref<204800xi32, #tpu.memory_space<hbm>> -> memref<6400xi32, #tpu.memory_space<hbm>>
      %dma_start3A_57 = tpu.memref_slice %arg2[%mul3A_2] : memref<204800xi32, #tpu.memory_space<hbm>> -> memref<6400xi32, #tpu.memory_space<hbm>>
      tpu.enqueue_dma source(%dma_start3A_57 : memref<6400xi32, #tpu.memory_space<hbm>>) target(%arg5 : memref<6400xi32, #tpu.memory_space<vmem>>) target_semaphore(%run_scoped3A : memref<!tpu.dma_semaphore, #tpu.memory_space<semaphore_mem>>)
      %dma_wait3A_58 = tpu.memref_slice %arg2[%mul3A_2] : memref<204800xi32, #tpu.memory_space<hbm>> -> memref<6400xi32, #tpu.memory_space<hbm>>
      %dma_wait3A_59 = tpu.memref_slice %arg2[%mul3A_2] : memref<204800xi32, #tpu.memory_space<hbm>> -> memref<6400xi32, #tpu.memory_space<hbm>>
      tpu.wait_dma2 semaphore(%run_scoped3A : memref<!tpu.dma_semaphore, #tpu.memory_space<semaphore_mem>>) src(%dma_wait3A_59 : memref<6400xi32, #tpu.memory_space<hbm>>) dst(%arg5 : memref<6400xi32, #tpu.memory_space<vmem>>)
      tpu.yield
    }) : () -> ()
    %dma_start3A = arith.constant 0 : i32
    %dma_start3A_3 = tpu.memref_slice %arg5[%dma_start3A] : memref<6400xi32, #tpu.memory_space<vmem>> -> memref<128xi32, #tpu.memory_space<vmem>>
    %dma_start3A_4 = arith.constant 0 : i32
    %dma_start3A_5 = arith.constant 0 : i32
    %dma_start3A_6 = tpu.memref_slice %arg3[%dma_start3A_4, %dma_start3A_5] : memref<100000x128xf32, #tpu.memory_space<hbm>> -> memref<100000x128xf32, #tpu.memory_space<hbm>>
    tpu.enqueue_indirect_dma source(%dma_start3A_6 : memref<100000x128xf32, #tpu.memory_space<hbm>>) target(%arg6 : memref<128x128xf32, #tpu.memory_space<vmem>>) offsets(%dma_start3A_3 : memref<128xi32, #tpu.memory_space<vmem>>) semaphore(%arg11 : memref<!tpu.dma_semaphore, #tpu.memory_space<semaphore_mem>>)
    %dma_start3A_7 = arith.constant 128 : i32
    %dma_start3A_8 = tpu.memref_slice %arg5[%dma_start3A_7] : memref<6400xi32, #tpu.memory_space<vmem>> -> memref<128xi32, #tpu.memory_space<vmem>>
    %dma_start3A_9 = arith.constant 0 : i32
    %dma_start3A_10 = arith.constant 0 : i32
    %dma_start3A_11 = tpu.memref_slice %arg3[%dma_start3A_9, %dma_start3A_10] : memref<100000x128xf32, #tpu.memory_space<hbm>> -> memref<100000x128xf32, #tpu.memory_space<hbm>>
    tpu.enqueue_indirect_dma source(%dma_start3A_11 : memref<100000x128xf32, #tpu.memory_space<hbm>>) target(%arg7 : memref<128x128xf32, #tpu.memory_space<vmem>>) offsets(%dma_start3A_8 : memref<128xi32, #tpu.memory_space<vmem>>) semaphore(%arg11 : memref<!tpu.dma_semaphore, #tpu.memory_space<semaphore_mem>>)
    %dma_start3A_12 = arith.constant 256 : i32
    %dma_start3A_13 = tpu.memref_slice %arg5[%dma_start3A_12] : memref<6400xi32, #tpu.memory_space<vmem>> -> memref<128xi32, #tpu.memory_space<vmem>>
    %dma_start3A_14 = arith.constant 0 : i32
    %dma_start3A_15 = arith.constant 0 : i32
    %dma_start3A_16 = tpu.memref_slice %arg3[%dma_start3A_14, %dma_start3A_15] : memref<100000x128xf32, #tpu.memory_space<hbm>> -> memref<100000x128xf32, #tpu.memory_space<hbm>>
    tpu.enqueue_indirect_dma source(%dma_start3A_16 : memref<100000x128xf32, #tpu.memory_space<hbm>>) target(%arg8 : memref<128x128xf32, #tpu.memory_space<vmem>>) offsets(%dma_start3A_13 : memref<128xi32, #tpu.memory_space<vmem>>) semaphore(%arg11 : memref<!tpu.dma_semaphore, #tpu.memory_space<semaphore_mem>>)
    %dma_start3A_17 = arith.constant 384 : i32
    %dma_start3A_18 = tpu.memref_slice %arg5[%dma_start3A_17] : memref<6400xi32, #tpu.memory_space<vmem>> -> memref<128xi32, #tpu.memory_space<vmem>>
    %dma_start3A_19 = arith.constant 0 : i32
    %dma_start3A_20 = arith.constant 0 : i32
    %dma_start3A_21 = tpu.memref_slice %arg3[%dma_start3A_19, %dma_start3A_20] : memref<100000x128xf32, #tpu.memory_space<hbm>> -> memref<100000x128xf32, #tpu.memory_space<hbm>>
    tpu.enqueue_indirect_dma source(%dma_start3A_21 : memref<100000x128xf32, #tpu.memory_space<hbm>>) target(%arg9 : memref<128x128xf32, #tpu.memory_space<vmem>>) offsets(%dma_start3A_18 : memref<128xi32, #tpu.memory_space<vmem>>) semaphore(%arg11 : memref<!tpu.dma_semaphore, #tpu.memory_space<semaphore_mem>>)
    %scan3A = arith.constant 0 : i32
    %scan3A_22 = arith.constant 0 : i32
    %scan3A_23 = arith.constant 10 : i32
    %scan3A_24 = arith.addi %scan3A_22, %scan3A_23 : i32
    %scan3A_25 = arith.constant 1 : i32
    scf.for %scan3A_56 = %scan3A_22 to %scan3A_24 step %scan3A_25  : i32 {
      %mul3A_57 = arith.constant 5 : i32
      %mul3A_58 = arith.muli %scan3A_56, %mul3A_57 : i32
      %add3A_59 = arith.constant 0 : i32
      %add3A_60 = arith.addi %mul3A_58, %add3A_59 : i32
      %mul3A_61 = arith.constant 128 : i32
      %mul3A_62 = arith.muli %add3A_60, %mul3A_61 : i32
      %dma_wait3A_63 = tpu.memref_slice %arg5[%mul3A_62] : memref<6400xi32, #tpu.memory_space<vmem>> -> memref<128xi32, #tpu.memory_space<vmem>>
      %dma_wait3A_64 = arith.constant 0 : i32
      %dma_wait3A_65 = arith.constant 0 : i32
      %dma_wait3A_66 = tpu.memref_slice %arg3[%dma_wait3A_64, %dma_wait3A_65] : memref<100000x128xf32, #tpu.memory_space<hbm>> -> memref<100000x128xf32, #tpu.memory_space<hbm>>
      tpu.wait_indirect_dma semaphore(%arg11 : memref<!tpu.dma_semaphore, #tpu.memory_space<semaphore_mem>>) src(%dma_wait3A_66 : memref<100000x128xf32, #tpu.memory_space<hbm>>) dst(%arg6 : memref<128x128xf32, #tpu.memory_space<vmem>>)
      %add3A_67 = arith.constant 5 : i32
      %add3A_68 = arith.addi %add3A_60, %add3A_67 : i32
      %sub3A = arith.constant 1 : i32
      %sub3A_69 = arith.subi %add3A_68, %sub3A : i32
      %lt3A = arith.constant 50 : i32
      %lt3A_70 = arith.cmpi slt, %sub3A_69, %lt3A : i32
      %convert_element_type3A = arith.extui %lt3A_70 : i1 to i32
      %cond3A = arith.constant 0 : i32
      %cond3A_71 = arith.cmpi ne, %convert_element_type3A, %cond3A : i32
      scf.if %cond3A_71 {
        %ge3A = arith.constant 5 : i32
        %ge3A_213 = arith.cmpi sge, %sub3A_69, %ge3A : i32
        %convert_element_type3A_214 = arith.extui %ge3A_213 : i1 to i32
        %cond3A_215 = arith.constant 0 : i32
        %cond3A_216 = arith.cmpi ne, %convert_element_type3A_214, %cond3A_215 : i32
        scf.if %cond3A_216 {
          %sub3A_223 = arith.constant 5 : i32
          %sub3A_224 = arith.subi %sub3A_69, %sub3A_223 : i32
          %mul3A_225 = arith.constant 128 : i32
          %mul3A_226 = arith.muli %sub3A_224, %mul3A_225 : i32
          %add3A_227 = arith.addi %mul3A_2, %mul3A_226 : i32
          %dma_wait3A_228 = arith.constant 0 : i32
          %dma_wait3A_229 = tpu.memref_slice %arg4[%add3A_227, %dma_wait3A_228] : memref<204800x128xf32, #tpu.memory_space<hbm>> -> memref<128x128xf32, #tpu.memory_space<hbm>>
          %dma_wait3A_230 = arith.constant 0 : i32
          %dma_wait3A_231 = tpu.memref_slice %arg4[%add3A_227, %dma_wait3A_230] : memref<204800x128xf32, #tpu.memory_space<hbm>> -> memref<128x128xf32, #tpu.memory_space<hbm>>
          tpu.wait_dma2 semaphore(%arg12 : memref<!tpu.dma_semaphore, #tpu.memory_space<semaphore_mem>>) src(%arg10 : memref<128x128xf32, #tpu.memory_space<vmem>>) dst(%dma_wait3A_231 : memref<128x128xf32, #tpu.memory_space<hbm>>)
        } else {
        }
        %mul3A_217 = arith.constant 128 : i32
        %mul3A_218 = arith.muli %sub3A_69, %mul3A_217 : i32
        %dma_start3A_219 = tpu.memref_slice %arg5[%mul3A_218] : memref<6400xi32, #tpu.memory_space<vmem>> -> memref<128xi32, #tpu.memory_space<vmem>>
        %dma_start3A_220 = arith.constant 0 : i32
        %dma_start3A_221 = arith.constant 0 : i32
        %dma_start3A_222 = tpu.memref_slice %arg3[%dma_start3A_220, %dma_start3A_221] : memref<100000x128xf32, #tpu.memory_space<hbm>> -> memref<100000x128xf32, #tpu.memory_space<hbm>>
        tpu.enqueue_indirect_dma source(%dma_start3A_222 : memref<100000x128xf32, #tpu.memory_space<hbm>>) target(%arg10 : memref<128x128xf32, #tpu.memory_space<vmem>>) offsets(%dma_start3A_219 : memref<128xi32, #tpu.memory_space<vmem>>) semaphore(%arg11 : memref<!tpu.dma_semaphore, #tpu.memory_space<semaphore_mem>>)
      } else {
      }
      %scan3A_72 = arith.constant 0 : i32
      %scan3A_73 = arith.constant 0 : i32
      %scan3A_74 = arith.constant 128 : i32
      %scan3A_75 = arith.addi %scan3A_73, %scan3A_74 : i32
      %scan3A_76 = arith.constant 2 : i32
      scf.for %scan3A_213 = %scan3A_73 to %scan3A_75 step %scan3A_76  : i32 {
        %get3A = arith.index_cast %scan3A_213 : i32 to index
        %get3A_214 = arith.constant 0 : index
        %get3A_215 = tpu.vector_load %arg6[%get3A, %get3A_214] {strides = array<i32>} : memref<128x128xf32, #tpu.memory_space<vmem>>, vector<1x16xf32>,
        %get3A_216 = vector.shape_cast %get3A_215 : vector<1x16xf32> to vector<16xf32>
        %mul3A_217 = arith.constant 11.3137083 : f32
        %mul3A_218 = vector.broadcast %mul3A_217 : f32 to vector<16xf32>
        %mul3A_219 = arith.mulf %get3A_216, %mul3A_218 : vector<16xf32>
        %swap3A = arith.index_cast %scan3A_213 : i32 to index
        %swap3A_220 = arith.constant 0 : index
        %swap3A_221 = tpu.vector_load %arg6[%swap3A, %swap3A_220] {strides = array<i32>} : memref<128x128xf32, #tpu.memory_space<vmem>>, vector<1x16xf32>,
        %swap3A_222 = vector.shape_cast %swap3A_221 : vector<1x16xf32> to vector<16xf32>
        %swap3A_223 = vector.shape_cast %mul3A_219 : vector<16xf32> to vector<1x16xf32>
        tpu.vector_store %arg6[%swap3A, %swap3A_220], %swap3A_223 {strides = array<i32>} : memref<128x128xf32, #tpu.memory_space<vmem>>, vector<1x16xf32>,
        %get3A_224 = arith.index_cast %scan3A_213 : i32 to index
        %get3A_225 = arith.constant 16 : index
        %get3A_226 = tpu.vector_load %arg6[%get3A_224, %get3A_225] {strides = array<i32>} : memref<128x128xf32, #tpu.memory_space<vmem>>, vector<1x16xf32>,
        %get3A_227 = vector.shape_cast %get3A_226 : vector<1x16xf32> to vector<16xf32>
        %mul3A_228 = arith.constant 11.3137083 : f32
        %mul3A_229 = vector.broadcast %mul3A_228 : f32 to vector<16xf32>
        %mul3A_230 = arith.mulf %get3A_227, %mul3A_229 : vector<16xf32>
        %swap3A_231 = arith.index_cast %scan3A_213 : i32 to index
        %swap3A_232 = arith.constant 16 : index
        %swap3A_233 = tpu.vector_load %arg6[%swap3A_231, %swap3A_232] {strides = array<i32>} : memref<128x128xf32, #tpu.memory_space<vmem>>, vector<1x16xf32>,
        %swap3A_234 = vector.shape_cast %swap3A_233 : vector<1x16xf32> to vector<16xf32>
        %swap3A_235 = vector.shape_cast %mul3A_230 : vector<16xf32> to vector<1x16xf32>
        tpu.vector_store %arg6[%swap3A_231, %swap3A_232], %swap3A_235 {strides = array<i32>} : memref<128x128xf32, #tpu.memory_space<vmem>>, vector<1x16xf32>,
        %get3A_236 = arith.index_cast %scan3A_213 : i32 to index
        %get3A_237 = arith.constant 32 : index
        %get3A_238 = tpu.vector_load %arg6[%get3A_236, %get3A_237] {strides = array<i32>} : memref<128x128xf32, #tpu.memory_space<vmem>>, vector<1x16xf32>,
        %get3A_239 = vector.shape_cast %get3A_238 : vector<1x16xf32> to vector<16xf32>
        %mul3A_240 = arith.constant 11.3137083 : f32
        %mul3A_241 = vector.broadcast %mul3A_240 : f32 to vector<16xf32>
        %mul3A_242 = arith.mulf %get3A_239, %mul3A_241 : vector<16xf32>
        %swap3A_243 = arith.index_cast %scan3A_213 : i32 to index
        %swap3A_244 = arith.constant 32 : index
        %swap3A_245 = tpu.vector_load %arg6[%swap3A_243, %swap3A_244] {strides = array<i32>} : memref<128x128xf32, #tpu.memory_space<vmem>>, vector<1x16xf32>,
        %swap3A_246 = vector.shape_cast %swap3A_245 : vector<1x16xf32> to vector<16xf32>
        %swap3A_247 = vector.shape_cast %mul3A_242 : vector<16xf32> to vector<1x16xf32>
        tpu.vector_store %arg6[%swap3A_243, %swap3A_244], %swap3A_247 {strides = array<i32>} : memref<128x128xf32, #tpu.memory_space<vmem>>, vector<1x16xf32>,
        %get3A_248 = arith.index_cast %scan3A_213 : i32 to index
        %get3A_249 = arith.constant 48 : index
        %get3A_250 = tpu.vector_load %arg6[%get3A_248, %get3A_249] {strides = array<i32>} : memref<128x128xf32, #tpu.memory_space<vmem>>, vector<1x16xf32>,
        %get3A_251 = vector.shape_cast %get3A_250 : vector<1x16xf32> to vector<16xf32>
        %mul3A_252 = arith.constant 11.3137083 : f32
        %mul3A_253 = vector.broadcast %mul3A_252 : f32 to vector<16xf32>
        %mul3A_254 = arith.mulf %get3A_251, %mul3A_253 : vector<16xf32>
        %swap3A_255 = arith.index_cast %scan3A_213 : i32 to index
        %swap3A_256 = arith.constant 48 : index
        %swap3A_257 = tpu.vector_load %arg6[%swap3A_255, %swap3A_256] {strides = array<i32>} : memref<128x128xf32, #tpu.memory_space<vmem>>, vector<1x16xf32>,
        %swap3A_258 = vector.shape_cast %swap3A_257 : vector<1x16xf32> to vector<16xf32>
        %swap3A_259 = vector.shape_cast %mul3A_254 : vector<16xf32> to vector<1x16xf32>
        tpu.vector_store %arg6[%swap3A_255, %swap3A_256], %swap3A_259 {strides = array<i32>} : memref<128x128xf32, #tpu.memory_space<vmem>>, vector<1x16xf32>,
        %get3A_260 = arith.index_cast %scan3A_213 : i32 to index
        %get3A_261 = arith.constant 64 : index
        %get3A_262 = tpu.vector_load %arg6[%get3A_260, %get3A_261] {strides = array<i32>} : memref<128x128xf32, #tpu.memory_space<vmem>>, vector<1x16xf32>,
        %get3A_263 = vector.shape_cast %get3A_262 : vector<1x16xf32> to vector<16xf32>
        %mul3A_264 = arith.constant 11.3137083 : f32
        %mul3A_265 = vector.broadcast %mul3A_264 : f32 to vector<16xf32>
        %mul3A_266 = arith.mulf %get3A_263, %mul3A_265 : vector<16xf32>
        %swap3A_267 = arith.index_cast %scan3A_213 : i32 to index
        %swap3A_268 = arith.constant 64 : index
        %swap3A_269 = tpu.vector_load %arg6[%swap3A_267, %swap3A_268] {strides = array<i32>} : memref<128x128xf32, #tpu.memory_space<vmem>>, vector<1x16xf32>,
        %swap3A_270 = vector.shape_cast %swap3A_269 : vector<1x16xf32> to vector<16xf32>
        %swap3A_271 = vector.shape_cast %mul3A_266 : vector<16xf32> to vector<1x16xf32>
        tpu.vector_store %arg6[%swap3A_267, %swap3A_268], %swap3A_271 {strides = array<i32>} : memref<128x128xf32, #tpu.memory_space<vmem>>, vector<1x16xf32>,
        %get3A_272 = arith.index_cast %scan3A_213 : i32 to index
        %get3A_273 = arith.constant 80 : index
        %get3A_274 = tpu.vector_load %arg6[%get3A_272, %get3A_273] {strides = array<i32>} : memref<128x128xf32, #tpu.memory_space<vmem>>, vector<1x16xf32>,
        %get3A_275 = vector.shape_cast %get3A_274 : vector<1x16xf32> to vector<16xf32>
        %mul3A_276 = arith.constant 11.3137083 : f32
        %mul3A_277 = vector.broadcast %mul3A_276 : f32 to vector<16xf32>
        %mul3A_278 = arith.mulf %get3A_275, %mul3A_277 : vector<16xf32>
        %swap3A_279 = arith.index_cast %scan3A_213 : i32 to index
        %swap3A_280 = arith.constant 80 : index
        %swap3A_281 = tpu.vector_load %arg6[%swap3A_279, %swap3A_280] {strides = array<i32>} : memref<128x128xf32, #tpu.memory_space<vmem>>, vector<1x16xf32>,
        %swap3A_282 = vector.shape_cast %swap3A_281 : vector<1x16xf32> to vector<16xf32>
        %swap3A_283 = vector.shape_cast %mul3A_278 : vector<16xf32> to vector<1x16xf32>
        tpu.vector_store %arg6[%swap3A_279, %swap3A_280], %swap3A_283 {strides = array<i32>} : memref<128x128xf32, #tpu.memory_space<vmem>>, vector<1x16xf32>,
        %get3A_284 = arith.index_cast %scan3A_213 : i32 to index
        %get3A_285 = arith.constant 96 : index
        %get3A_286 = tpu.vector_load %arg6[%get3A_284, %get3A_285] {strides = array<i32>} : memref<128x128xf32, #tpu.memory_space<vmem>>, vector<1x16xf32>,
        %get3A_287 = vector.shape_cast %get3A_286 : vector<1x16xf32> to vector<16xf32>
        %mul3A_288 = arith.constant 11.3137083 : f32
        %mul3A_289 = vector.broadcast %mul3A_288 : f32 to vector<16xf32>
        %mul3A_290 = arith.mulf %get3A_287, %mul3A_289 : vector<16xf32>
        %swap3A_291 = arith.index_cast %scan3A_213 : i32 to index
        %swap3A_292 = arith.constant 96 : index
        %swap3A_293 = tpu.vector_load %arg6[%swap3A_291, %swap3A_292] {strides = array<i32>} : memref<128x128xf32, #tpu.memory_space<vmem>>, vector<1x16xf32>,
        %swap3A_294 = vector.shape_cast %swap3A_293 : vector<1x16xf32> to vector<16xf32>
        %swap3A_295 = vector.shape_cast %mul3A_290 : vector<16xf32> to vector<1x16xf32>
        tpu.vector_store %arg6[%swap3A_291, %swap3A_292], %swap3A_295 {strides = array<i32>} : memref<128x128xf32, #tpu.memory_space<vmem>>, vector<1x16xf32>,
        %get3A_296 = arith.index_cast %scan3A_213 : i32 to index
        %get3A_297 = arith.constant 112 : index
        %get3A_298 = tpu.vector_load %arg6[%get3A_296, %get3A_297] {strides = array<i32>} : memref<128x128xf32, #tpu.memory_space<vmem>>, vector<1x16xf32>,
        %get3A_299 = vector.shape_cast %get3A_298 : vector<1x16xf32> to vector<16xf32>
        %mul3A_300 = arith.constant 11.3137083 : f32
        %mul3A_301 = vector.broadcast %mul3A_300 : f32 to vector<16xf32>
        %mul3A_302 = arith.mulf %get3A_299, %mul3A_301 : vector<16xf32>
        %swap3A_303 = arith.index_cast %scan3A_213 : i32 to index
        %swap3A_304 = arith.constant 112 : index
        %swap3A_305 = tpu.vector_load %arg6[%swap3A_303, %swap3A_304] {strides = array<i32>} : memref<128x128xf32, #tpu.memory_space<vmem>>, vector<1x16xf32>,
        %swap3A_306 = vector.shape_cast %swap3A_305 : vector<1x16xf32> to vector<16xf32>
        %swap3A_307 = vector.shape_cast %mul3A_302 : vector<16xf32> to vector<1x16xf32>
        tpu.vector_store %arg6[%swap3A_303, %swap3A_304], %swap3A_307 {strides = array<i32>} : memref<128x128xf32, #tpu.memory_space<vmem>>, vector<1x16xf32>,
        %scan3A_308 = arith.constant 1 : i32
        %scan3A_309 = arith.addi %scan3A_213, %scan3A_308 : i32
        %get3A_310 = arith.index_cast %scan3A_309 : i32 to index
        %get3A_311 = arith.constant 0 : index
        %get3A_312 = tpu.vector_load %arg6[%get3A_310, %get3A_311] {strides = array<i32>} : memref<128x128xf32, #tpu.memory_space<vmem>>, vector<1x16xf32>,
        %get3A_313 = vector.shape_cast %get3A_312 : vector<1x16xf32> to vector<16xf32>
        %mul3A_314 = arith.constant 11.3137083 : f32
        %mul3A_315 = vector.broadcast %mul3A_314 : f32 to vector<16xf32>
        %mul3A_316 = arith.mulf %get3A_313, %mul3A_315 : vector<16xf32>
        %swap3A_317 = arith.index_cast %scan3A_309 : i32 to index
        %swap3A_318 = arith.constant 0 : index
        %swap3A_319 = tpu.vector_load %arg6[%swap3A_317, %swap3A_318] {strides = array<i32>} : memref<128x128xf32, #tpu.memory_space<vmem>>, vector<1x16xf32>,
        %swap3A_320 = vector.shape_cast %swap3A_319 : vector<1x16xf32> to vector<16xf32>
        %swap3A_321 = vector.shape_cast %mul3A_316 : vector<16xf32> to vector<1x16xf32>
        tpu.vector_store %arg6[%swap3A_317, %swap3A_318], %swap3A_321 {strides = array<i32>} : memref<128x128xf32, #tpu.memory_space<vmem>>, vector<1x16xf32>,
        %get3A_322 = arith.index_cast %scan3A_309 : i32 to index
        %get3A_323 = arith.constant 16 : index
        %get3A_324 = tpu.vector_load %arg6[%get3A_322, %get3A_323] {strides = array<i32>} : memref<128x128xf32, #tpu.memory_space<vmem>>, vector<1x16xf32>,
        %get3A_325 = vector.shape_cast %get3A_324 : vector<1x16xf32> to vector<16xf32>
        %mul3A_326 = arith.constant 11.3137083 : f32
        %mul3A_327 = vector.broadcast %mul3A_326 : f32 to vector<16xf32>
        %mul3A_328 = arith.mulf %get3A_325, %mul3A_327 : vector<16xf32>
        %swap3A_329 = arith.index_cast %scan3A_309 : i32 to index
        %swap3A_330 = arith.constant 16 : index
        %swap3A_331 = tpu.vector_load %arg6[%swap3A_329, %swap3A_330] {strides = array<i32>} : memref<128x128xf32, #tpu.memory_space<vmem>>, vector<1x16xf32>,
        %swap3A_332 = vector.shape_cast %swap3A_331 : vector<1x16xf32> to vector<16xf32>
        %swap3A_333 = vector.shape_cast %mul3A_328 : vector<16xf32> to vector<1x16xf32>
        tpu.vector_store %arg6[%swap3A_329, %swap3A_330], %swap3A_333 {strides = array<i32>} : memref<128x128xf32, #tpu.memory_space<vmem>>, vector<1x16xf32>,
        %get3A_334 = arith.index_cast %scan3A_309 : i32 to index
        %get3A_335 = arith.constant 32 : index
        %get3A_336 = tpu.vector_load %arg6[%get3A_334, %get3A_335] {strides = array<i32>} : memref<128x128xf32, #tpu.memory_space<vmem>>, vector<1x16xf32>,
        %get3A_337 = vector.shape_cast %get3A_336 : vector<1x16xf32> to vector<16xf32>
        %mul3A_338 = arith.constant 11.3137083 : f32
        %mul3A_339 = vector.broadcast %mul3A_338 : f32 to vector<16xf32>
        %mul3A_340 = arith.mulf %get3A_337, %mul3A_339 : vector<16xf32>
        %swap3A_341 = arith.index_cast %scan3A_309 : i32 to index
        %swap3A_342 = arith.constant 32 : index
        %swap3A_343 = tpu.vector_load %arg6[%swap3A_341, %swap3A_342] {strides = array<i32>} : memref<128x128xf32, #tpu.memory_space<vmem>>, vector<1x16xf32>,
        %swap3A_344 = vector.shape_cast %swap3A_343 : vector<1x16xf32> to vector<16xf32>
        %swap3A_345 = vector.shape_cast %mul3A_340 : vector<16xf32> to vector<1x16xf32>
        tpu.vector_store %arg6[%swap3A_341, %swap3A_342], %swap3A_345 {strides = array<i32>} : memref<128x128xf32, #tpu.memory_space<vmem>>, vector<1x16xf32>,
        %get3A_346 = arith.index_cast %scan3A_309 : i32 to index
        %get3A_347 = arith.constant 48 : index
        %get3A_348 = tpu.vector_load %arg6[%get3A_346, %get3A_347] {strides = array<i32>} : memref<128x128xf32, #tpu.memory_space<vmem>>, vector<1x16xf32>,
        %get3A_349 = vector.shape_cast %get3A_348 : vector<1x16xf32> to vector<16xf32>
        %mul3A_350 = arith.constant 11.3137083 : f32
        %mul3A_351 = vector.broadcast %mul3A_350 : f32 to vector<16xf32>
        %mul3A_352 = arith.mulf %get3A_349, %mul3A_351 : vector<16xf32>
        %swap3A_353 = arith.index_cast %scan3A_309 : i32 to index
        %swap3A_354 = arith.constant 48 : index
        %swap3A_355 = tpu.vector_load %arg6[%swap3A_353, %swap3A_354] {strides = array<i32>} : memref<128x128xf32, #tpu.memory_space<vmem>>, vector<1x16xf32>,
        %swap3A_356 = vector.shape_cast %swap3A_355 : vector<1x16xf32> to vector<16xf32>
        %swap3A_357 = vector.shape_cast %mul3A_352 : vector<16xf32> to vector<1x16xf32>
        tpu.vector_store %arg6[%swap3A_353, %swap3A_354], %swap3A_357 {strides = array<i32>} : memref<128x128xf32, #tpu.memory_space<vmem>>, vector<1x16xf32>,
        %get3A_358 = arith.index_cast %scan3A_309 : i32 to index
        %get3A_359 = arith.constant 64 : index
        %get3A_360 = tpu.vector_load %arg6[%get3A_358, %get3A_359] {strides = array<i32>} : memref<128x128xf32, #tpu.memory_space<vmem>>, vector<1x16xf32>,
        %get3A_361 = vector.shape_cast %get3A_360 : vector<1x16xf32> to vector<16xf32>
        %mul3A_362 = arith.constant 11.3137083 : f32
        %mul3A_363 = vector.broadcast %mul3A_362 : f32 to vector<16xf32>
        %mul3A_364 = arith.mulf %get3A_361, %mul3A_363 : vector<16xf32>
        %swap3A_365 = arith.index_cast %scan3A_309 : i32 to index
        %swap3A_366 = arith.constant 64 : index
        %swap3A_367 = tpu.vector_load %arg6[%swap3A_365, %swap3A_366] {strides = array<i32>} : memref<128x128xf32, #tpu.memory_space<vmem>>, vector<1x16xf32>,
        %swap3A_368 = vector.shape_cast %swap3A_367 : vector<1x16xf32> to vector<16xf32>
        %swap3A_369 = vector.shape_cast %mul3A_364 : vector<16xf32> to vector<1x16xf32>
        tpu.vector_store %arg6[%swap3A_365, %swap3A_366], %swap3A_369 {strides = array<i32>} : memref<128x128xf32, #tpu.memory_space<vmem>>, vector<1x16xf32>,
        %get3A_370 = arith.index_cast %scan3A_309 : i32 to index
        %get3A_371 = arith.constant 80 : index
        %get3A_372 = tpu.vector_load %arg6[%get3A_370, %get3A_371] {strides = array<i32>} : memref<128x128xf32, #tpu.memory_space<vmem>>, vector<1x16xf32>,
        %get3A_373 = vector.shape_cast %get3A_372 : vector<1x16xf32> to vector<16xf32>
        %mul3A_374 = arith.constant 11.3137083 : f32
        %mul3A_375 = vector.broadcast %mul3A_374 : f32 to vector<16xf32>
        %mul3A_376 = arith.mulf %get3A_373, %mul3A_375 : vector<16xf32>
        %swap3A_377 = arith.index_cast %scan3A_309 : i32 to index
        %swap3A_378 = arith.constant 80 : index
        %swap3A_379 = tpu.vector_load %arg6[%swap3A_377, %swap3A_378] {strides = array<i32>} : memref<128x128xf32, #tpu.memory_space<vmem>>, vector<1x16xf32>,
        %swap3A_380 = vector.shape_cast %swap3A_379 : vector<1x16xf32> to vector<16xf32>
        %swap3A_381 = vector.shape_cast %mul3A_376 : vector<16xf32> to vector<1x16xf32>
        tpu.vector_store %arg6[%swap3A_377, %swap3A_378], %swap3A_381 {strides = array<i32>} : memref<128x128xf32, #tpu.memory_space<vmem>>, vector<1x16xf32>,
        %get3A_382 = arith.index_cast %scan3A_309 : i32 to index
        %get3A_383 = arith.constant 96 : index
        %get3A_384 = tpu.vector_load %arg6[%get3A_382, %get3A_383] {strides = array<i32>} : memref<128x128xf32, #tpu.memory_space<vmem>>, vector<1x16xf32>,
        %get3A_385 = vector.shape_cast %get3A_384 : vector<1x16xf32> to vector<16xf32>
        %mul3A_386 = arith.constant 11.3137083 : f32
        %mul3A_387 = vector.broadcast %mul3A_386 : f32 to vector<16xf32>
        %mul3A_388 = arith.mulf %get3A_385, %mul3A_387 : vector<16xf32>
        %swap3A_389 = arith.index_cast %scan3A_309 : i32 to index
        %swap3A_390 = arith.constant 96 : index
        %swap3A_391 = tpu.vector_load %arg6[%swap3A_389, %swap3A_390] {strides = array<i32>} : memref<128x128xf32, #tpu.memory_space<vmem>>, vector<1x16xf32>,
        %swap3A_392 = vector.shape_cast %swap3A_391 : vector<1x16xf32> to vector<16xf32>
        %swap3A_393 = vector.shape_cast %mul3A_388 : vector<16xf32> to vector<1x16xf32>
        tpu.vector_store %arg6[%swap3A_389, %swap3A_390], %swap3A_393 {strides = array<i32>} : memref<128x128xf32, #tpu.memory_space<vmem>>, vector<1x16xf32>,
        %get3A_394 = arith.index_cast %scan3A_309 : i32 to index
        %get3A_395 = arith.constant 112 : index
        %get3A_396 = tpu.vector_load %arg6[%get3A_394, %get3A_395] {strides = array<i32>} : memref<128x128xf32, #tpu.memory_space<vmem>>, vector<1x16xf32>,
        %get3A_397 = vector.shape_cast %get3A_396 : vector<1x16xf32> to vector<16xf32>
        %mul3A_398 = arith.constant 11.3137083 : f32
        %mul3A_399 = vector.broadcast %mul3A_398 : f32 to vector<16xf32>
        %mul3A_400 = arith.mulf %get3A_397, %mul3A_399 : vector<16xf32>
        %swap3A_401 = arith.index_cast %scan3A_309 : i32 to index
        %swap3A_402 = arith.constant 112 : index
        %swap3A_403 = tpu.vector_load %arg6[%swap3A_401, %swap3A_402] {strides = array<i32>} : memref<128x128xf32, #tpu.memory_space<vmem>>, vector<1x16xf32>,
        %swap3A_404 = vector.shape_cast %swap3A_403 : vector<1x16xf32> to vector<16xf32>
        %swap3A_405 = vector.shape_cast %mul3A_400 : vector<16xf32> to vector<1x16xf32>
        tpu.vector_store %arg6[%swap3A_401, %swap3A_402], %swap3A_405 {strides = array<i32>} : memref<128x128xf32, #tpu.memory_space<vmem>>, vector<1x16xf32>,
      }
      %scan3A_77 = arith.constant 128 : i32
      %mul3A_78 = arith.constant 128 : i32
      %mul3A_79 = arith.muli %add3A_60, %mul3A_78 : i32
      %add3A_80 = arith.addi %mul3A_2, %mul3A_79 : i32
      %dma_start3A_81 = arith.constant 0 : i32
      %dma_start3A_82 = tpu.memref_slice %arg4[%add3A_80, %dma_start3A_81] : memref<204800x128xf32, #tpu.memory_space<hbm>> -> memref<128x128xf32, #tpu.memory_space<hbm>>
      %dma_start3A_83 = arith.constant 0 : i32
      %dma_start3A_84 = tpu.memref_slice %arg4[%add3A_80, %dma_start3A_83] : memref<204800x128xf32, #tpu.memory_space<hbm>> -> memref<128x128xf32, #tpu.memory_space<hbm>>
      tpu.enqueue_dma source(%arg6 : memref<128x128xf32, #tpu.memory_space<vmem>>) target(%dma_start3A_84 : memref<128x128xf32, #tpu.memory_space<hbm>>) target_semaphore(%arg12 : memref<!tpu.dma_semaphore, #tpu.memory_space<semaphore_mem>>)
      %mul3A_85 = arith.constant 5 : i32
      %mul3A_86 = arith.muli %scan3A_56, %mul3A_85 : i32
      %add3A_87 = arith.constant 1 : i32
      %add3A_88 = arith.addi %mul3A_86, %add3A_87 : i32
      %mul3A_89 = arith.constant 128 : i32
      %mul3A_90 = arith.muli %add3A_88, %mul3A_89 : i32
      %dma_wait3A_91 = tpu.memref_slice %arg5[%mul3A_90] : memref<6400xi32, #tpu.memory_space<vmem>> -> memref<128xi32, #tpu.memory_space<vmem>>
      %dma_wait3A_92 = arith.constant 0 : i32
      %dma_wait3A_93 = arith.constant 0 : i32
      %dma_wait3A_94 = tpu.memref_slice %arg3[%dma_wait3A_92, %dma_wait3A_93] : memref<100000x128xf32, #tpu.memory_space<hbm>> -> memref<100000x128xf32, #tpu.memory_space<hbm>>
      tpu.wait_indirect_dma semaphore(%arg11 : memref<!tpu.dma_semaphore, #tpu.memory_space<semaphore_mem>>) src(%dma_wait3A_94 : memref<100000x128xf32, #tpu.memory_space<hbm>>) dst(%arg7 : memref<128x128xf32, #tpu.memory_space<vmem>>)
      %add3A_95 = arith.constant 5 : i32
      %add3A_96 = arith.addi %add3A_88, %add3A_95 : i32
      %sub3A_97 = arith.constant 1 : i32
      %sub3A_98 = arith.subi %add3A_96, %sub3A_97 : i32
      %lt3A_99 = arith.constant 50 : i32
      %lt3A_100 = arith.cmpi slt, %sub3A_98, %lt3A_99 : i32
      %convert_element_type3A_101 = arith.extui %lt3A_100 : i1 to i32
      %cond3A_102 = arith.constant 0 : i32
      %cond3A_103 = arith.cmpi ne, %convert_element_type3A_101, %cond3A_102 : i32
      scf.if %cond3A_103 {
        %ge3A = arith.constant 5 : i32
        %ge3A_213 = arith.cmpi sge, %sub3A_98, %ge3A : i32
        %convert_element_type3A_214 = arith.extui %ge3A_213 : i1 to i32
        %cond3A_215 = arith.constant 0 : i32
        %cond3A_216 = arith.cmpi ne, %convert_element_type3A_214, %cond3A_215 : i32
        scf.if %cond3A_216 {
          %sub3A_223 = arith.constant 5 : i32
          %sub3A_224 = arith.subi %sub3A_98, %sub3A_223 : i32
          %mul3A_225 = arith.constant 128 : i32
          %mul3A_226 = arith.muli %sub3A_224, %mul3A_225 : i32
          %add3A_227 = arith.addi %mul3A_2, %mul3A_226 : i32
          %dma_wait3A_228 = arith.constant 0 : i32
          %dma_wait3A_229 = tpu.memref_slice %arg4[%add3A_227, %dma_wait3A_228] : memref<204800x128xf32, #tpu.memory_space<hbm>> -> memref<128x128xf32, #tpu.memory_space<hbm>>
          %dma_wait3A_230 = arith.constant 0 : i32
          %dma_wait3A_231 = tpu.memref_slice %arg4[%add3A_227, %dma_wait3A_230] : memref<204800x128xf32, #tpu.memory_space<hbm>> -> memref<128x128xf32, #tpu.memory_space<hbm>>
          tpu.wait_dma2 semaphore(%arg12 : memref<!tpu.dma_semaphore, #tpu.memory_space<semaphore_mem>>) src(%arg6 : memref<128x128xf32, #tpu.memory_space<vmem>>) dst(%dma_wait3A_231 : memref<128x128xf32, #tpu.memory_space<hbm>>)
        } else {
        }
        %mul3A_217 = arith.constant 128 : i32
        %mul3A_218 = arith.muli %sub3A_98, %mul3A_217 : i32
        %dma_start3A_219 = tpu.memref_slice %arg5[%mul3A_218] : memref<6400xi32, #tpu.memory_space<vmem>> -> memref<128xi32, #tpu.memory_space<vmem>>
        %dma_start3A_220 = arith.constant 0 : i32
        %dma_start3A_221 = arith.constant 0 : i32
        %dma_start3A_222 = tpu.memref_slice %arg3[%dma_start3A_220, %dma_start3A_221] : memref<100000x128xf32, #tpu.memory_space<hbm>> -> memref<100000x128xf32, #tpu.memory_space<hbm>>
        tpu.enqueue_indirect_dma source(%dma_start3A_222 : memref<100000x128xf32, #tpu.memory_space<hbm>>) target(%arg6 : memref<128x128xf32, #tpu.memory_space<vmem>>) offsets(%dma_start3A_219 : memref<128xi32, #tpu.memory_space<vmem>>) semaphore(%arg11 : memref<!tpu.dma_semaphore, #tpu.memory_space<semaphore_mem>>)
      } else {
      }
      %scan3A_104 = arith.constant 0 : i32
      %scan3A_105 = arith.constant 0 : i32
      %scan3A_106 = arith.constant 128 : i32
      %scan3A_107 = arith.addi %scan3A_105, %scan3A_106 : i32
      %scan3A_108 = arith.constant 2 : i32
      scf.for %scan3A_213 = %scan3A_105 to %scan3A_107 step %scan3A_108  : i32 {
        %get3A = arith.index_cast %scan3A_213 : i32 to index
        %get3A_214 = arith.constant 0 : index
        %get3A_215 = tpu.vector_load %arg7[%get3A, %get3A_214] {strides = array<i32>} : memref<128x128xf32, #tpu.memory_space<vmem>>, vector<1x16xf32>,
        %get3A_216 = vector.shape_cast %get3A_215 : vector<1x16xf32> to vector<16xf32>
        %mul3A_217 = arith.constant 11.3137083 : f32
        %mul3A_218 = vector.broadcast %mul3A_217 : f32 to vector<16xf32>
        %mul3A_219 = arith.mulf %get3A_216, %mul3A_218 : vector<16xf32>
        %swap3A = arith.index_cast %scan3A_213 : i32 to index
        %swap3A_220 = arith.constant 0 : index
        %swap3A_221 = tpu.vector_load %arg7[%swap3A, %swap3A_220] {strides = array<i32>} : memref<128x128xf32, #tpu.memory_space<vmem>>, vector<1x16xf32>,
        %swap3A_222 = vector.shape_cast %swap3A_221 : vector<1x16xf32> to vector<16xf32>
        %swap3A_223 = vector.shape_cast %mul3A_219 : vector<16xf32> to vector<1x16xf32>
        tpu.vector_store %arg7[%swap3A, %swap3A_220], %swap3A_223 {strides = array<i32>} : memref<128x128xf32, #tpu.memory_space<vmem>>, vector<1x16xf32>,
        %get3A_224 = arith.index_cast %scan3A_213 : i32 to index
        %get3A_225 = arith.constant 16 : index
        %get3A_226 = tpu.vector_load %arg7[%get3A_224, %get3A_225] {strides = array<i32>} : memref<128x128xf32, #tpu.memory_space<vmem>>, vector<1x16xf32>,
        %get3A_227 = vector.shape_cast %get3A_226 : vector<1x16xf32> to vector<16xf32>
        %mul3A_228 = arith.constant 11.3137083 : f32
        %mul3A_229 = vector.broadcast %mul3A_228 : f32 to vector<16xf32>
        %mul3A_230 = arith.mulf %get3A_227, %mul3A_229 : vector<16xf32>
        %swap3A_231 = arith.index_cast %scan3A_213 : i32 to index
        %swap3A_232 = arith.constant 16 : index
        %swap3A_233 = tpu.vector_load %arg7[%swap3A_231, %swap3A_232] {strides = array<i32>} : memref<128x128xf32, #tpu.memory_space<vmem>>, vector<1x16xf32>,
        %swap3A_234 = vector.shape_cast %swap3A_233 : vector<1x16xf32> to vector<16xf32>
        %swap3A_235 = vector.shape_cast %mul3A_230 : vector<16xf32> to vector<1x16xf32>
        tpu.vector_store %arg7[%swap3A_231, %swap3A_232], %swap3A_235 {strides = array<i32>} : memref<128x128xf32, #tpu.memory_space<vmem>>, vector<1x16xf32>,
        %get3A_236 = arith.index_cast %scan3A_213 : i32 to index
        %get3A_237 = arith.constant 32 : index
        %get3A_238 = tpu.vector_load %arg7[%get3A_236, %get3A_237] {strides = array<i32>} : memref<128x128xf32, #tpu.memory_space<vmem>>, vector<1x16xf32>,
        %get3A_239 = vector.shape_cast %get3A_238 : vector<1x16xf32> to vector<16xf32>
        %mul3A_240 = arith.constant 11.3137083 : f32
        %mul3A_241 = vector.broadcast %mul3A_240 : f32 to vector<16xf32>
        %mul3A_242 = arith.mulf %get3A_239, %mul3A_241 : vector<16xf32>
        %swap3A_243 = arith.index_cast %scan3A_213 : i32 to index
        %swap3A_244 = arith.constant 32 : index
        %swap3A_245 = tpu.vector_load %arg7[%swap3A_243, %swap3A_244] {strides = array<i32>} : memref<128x128xf32, #tpu.memory_space<vmem>>, vector<1x16xf32>,
        %swap3A_246 = vector.shape_cast %swap3A_245 : vector<1x16xf32> to vector<16xf32>
        %swap3A_247 = vector.shape_cast %mul3A_242 : vector<16xf32> to vector<1x16xf32>
        tpu.vector_store %arg7[%swap3A_243, %swap3A_244], %swap3A_247 {strides = array<i32>} : memref<128x128xf32, #tpu.memory_space<vmem>>, vector<1x16xf32>,
        %get3A_248 = arith.index_cast %scan3A_213 : i32 to index
        %get3A_249 = arith.constant 48 : index
        %get3A_250 = tpu.vector_load %arg7[%get3A_248, %get3A_249] {strides = array<i32>} : memref<128x128xf32, #tpu.memory_space<vmem>>, vector<1x16xf32>,
        %get3A_251 = vector.shape_cast %get3A_250 : vector<1x16xf32> to vector<16xf32>
        %mul3A_252 = arith.constant 11.3137083 : f32
        %mul3A_253 = vector.broadcast %mul3A_252 : f32 to vector<16xf32>
        %mul3A_254 = arith.mulf %get3A_251, %mul3A_253 : vector<16xf32>
        %swap3A_255 = arith.index_cast %scan3A_213 : i32 to index
        %swap3A_256 = arith.constant 48 : index
        %swap3A_257 = tpu.vector_load %arg7[%swap3A_255, %swap3A_256] {strides = array<i32>} : memref<128x128xf32, #tpu.memory_space<vmem>>, vector<1x16xf32>,
        %swap3A_258 = vector.shape_cast %swap3A_257 : vector<1x16xf32> to vector<16xf32>
        %swap3A_259 = vector.shape_cast %mul3A_254 : vector<16xf32> to vector<1x16xf32>
        tpu.vector_store %arg7[%swap3A_255, %swap3A_256], %swap3A_259 {strides = array<i32>} : memref<128x128xf32, #tpu.memory_space<vmem>>, vector<1x16xf32>,
        %get3A_260 = arith.index_cast %scan3A_213 : i32 to index
        %get3A_261 = arith.constant 64 : index
        %get3A_262 = tpu.vector_load %arg7[%get3A_260, %get3A_261] {strides = array<i32>} : memref<128x128xf32, #tpu.memory_space<vmem>>, vector<1x16xf32>,
        %get3A_263 = vector.shape_cast %get3A_262 : vector<1x16xf32> to vector<16xf32>
        %mul3A_264 = arith.constant 11.3137083 : f32
        %mul3A_265 = vector.broadcast %mul3A_264 : f32 to vector<16xf32>
        %mul3A_266 = arith.mulf %get3A_263, %mul3A_265 : vector<16xf32>
        %swap3A_267 = arith.index_cast %scan3A_213 : i32 to index
        %swap3A_268 = arith.constant 64 : index
        %swap3A_269 = tpu.vector_load %arg7[%swap3A_267, %swap3A_268] {strides = array<i32>} : memref<128x128xf32, #tpu.memory_space<vmem>>, vector<1x16xf32>,
        %swap3A_270 = vector.shape_cast %swap3A_269 : vector<1x16xf32> to vector<16xf32>
        %swap3A_271 = vector.shape_cast %mul3A_266 : vector<16xf32> to vector<1x16xf32>
        tpu.vector_store %arg7[%swap3A_267, %swap3A_268], %swap3A_271 {strides = array<i32>} : memref<128x128xf32, #tpu.memory_space<vmem>>, vector<1x16xf32>,
        %get3A_272 = arith.index_cast %scan3A_213 : i32 to index
        %get3A_273 = arith.constant 80 : index
        %get3A_274 = tpu.vector_load %arg7[%get3A_272, %get3A_273] {strides = array<i32>} : memref<128x128xf32, #tpu.memory_space<vmem>>, vector<1x16xf32>,
        %get3A_275 = vector.shape_cast %get3A_274 : vector<1x16xf32> to vector<16xf32>
        %mul3A_276 = arith.constant 11.3137083 : f32
        %mul3A_277 = vector.broadcast %mul3A_276 : f32 to vector<16xf32>
        %mul3A_278 = arith.mulf %get3A_275, %mul3A_277 : vector<16xf32>
        %swap3A_279 = arith.index_cast %scan3A_213 : i32 to index
        %swap3A_280 = arith.constant 80 : index
        %swap3A_281 = tpu.vector_load %arg7[%swap3A_279, %swap3A_280] {strides = array<i32>} : memref<128x128xf32, #tpu.memory_space<vmem>>, vector<1x16xf32>,
        %swap3A_282 = vector.shape_cast %swap3A_281 : vector<1x16xf32> to vector<16xf32>
        %swap3A_283 = vector.shape_cast %mul3A_278 : vector<16xf32> to vector<1x16xf32>
        tpu.vector_store %arg7[%swap3A_279, %swap3A_280], %swap3A_283 {strides = array<i32>} : memref<128x128xf32, #tpu.memory_space<vmem>>, vector<1x16xf32>,
        %get3A_284 = arith.index_cast %scan3A_213 : i32 to index
        %get3A_285 = arith.constant 96 : index
        %get3A_286 = tpu.vector_load %arg7[%get3A_284, %get3A_285] {strides = array<i32>} : memref<128x128xf32, #tpu.memory_space<vmem>>, vector<1x16xf32>,
        %get3A_287 = vector.shape_cast %get3A_286 : vector<1x16xf32> to vector<16xf32>
        %mul3A_288 = arith.constant 11.3137083 : f32
        %mul3A_289 = vector.broadcast %mul3A_288 : f32 to vector<16xf32>
        %mul3A_290 = arith.mulf %get3A_287, %mul3A_289 : vector<16xf32>
        %swap3A_291 = arith.index_cast %scan3A_213 : i32 to index
        %swap3A_292 = arith.constant 96 : index
        %swap3A_293 = tpu.vector_load %arg7[%swap3A_291, %swap3A_292] {strides = array<i32>} : memref<128x128xf32, #tpu.memory_space<vmem>>, vector<1x16xf32>,
        %swap3A_294 = vector.shape_cast %swap3A_293 : vector<1x16xf32> to vector<16xf32>
        %swap3A_295 = vector.shape_cast %mul3A_290 : vector<16xf32> to vector<1x16xf32>
        tpu.vector_store %arg7[%swap3A_291, %swap3A_292], %swap3A_295 {strides = array<i32>} : memref<128x128xf32, #tpu.memory_space<vmem>>, vector<1x16xf32>,
        %get3A_296 = arith.index_cast %scan3A_213 : i32 to index
        %get3A_297 = arith.constant 112 : index
        %get3A_298 = tpu.vector_load %arg7[%get3A_296, %get3A_297] {strides = array<i32>} : memref<128x128xf32, #tpu.memory_space<vmem>>, vector<1x16xf32>,
        %get3A_299 = vector.shape_cast %get3A_298 : vector<1x16xf32> to vector<16xf32>
        %mul3A_300 = arith.constant 11.3137083 : f32
        %mul3A_301 = vector.broadcast %mul3A_300 : f32 to vector<16xf32>
        %mul3A_302 = arith.mulf %get3A_299, %mul3A_301 : vector<16xf32>
        %swap3A_303 = arith.index_cast %scan3A_213 : i32 to index
        %swap3A_304 = arith.constant 112 : index
        %swap3A_305 = tpu.vector_load %arg7[%swap3A_303, %swap3A_304] {strides = array<i32>} : memref<128x128xf32, #tpu.memory_space<vmem>>, vector<1x16xf32>,
        %swap3A_306 = vector.shape_cast %swap3A_305 : vector<1x16xf32> to vector<16xf32>
        %swap3A_307 = vector.shape_cast %mul3A_302 : vector<16xf32> to vector<1x16xf32>
        tpu.vector_store %arg7[%swap3A_303, %swap3A_304], %swap3A_307 {strides = array<i32>} : memref<128x128xf32, #tpu.memory_space<vmem>>, vector<1x16xf32>,
        %scan3A_308 = arith.constant 1 : i32
        %scan3A_309 = arith.addi %scan3A_213, %scan3A_308 : i32
        %get3A_310 = arith.index_cast %scan3A_309 : i32 to index
        %get3A_311 = arith.constant 0 : index
        %get3A_312 = tpu.vector_load %arg7[%get3A_310, %get3A_311] {strides = array<i32>} : memref<128x128xf32, #tpu.memory_space<vmem>>, vector<1x16xf32>,
        %get3A_313 = vector.shape_cast %get3A_312 : vector<1x16xf32> to vector<16xf32>
        %mul3A_314 = arith.constant 11.3137083 : f32
        %mul3A_315 = vector.broadcast %mul3A_314 : f32 to vector<16xf32>
        %mul3A_316 = arith.mulf %get3A_313, %mul3A_315 : vector<16xf32>
        %swap3A_317 = arith.index_cast %scan3A_309 : i32 to index
        %swap3A_318 = arith.constant 0 : index
        %swap3A_319 = tpu.vector_load %arg7[%swap3A_317, %swap3A_318] {strides = array<i32>} : memref<128x128xf32, #tpu.memory_space<vmem>>, vector<1x16xf32>,
        %swap3A_320 = vector.shape_cast %swap3A_319 : vector<1x16xf32> to vector<16xf32>
        %swap3A_321 = vector.shape_cast %mul3A_316 : vector<16xf32> to vector<1x16xf32>
        tpu.vector_store %arg7[%swap3A_317, %swap3A_318], %swap3A_321 {strides = array<i32>} : memref<128x128xf32, #tpu.memory_space<vmem>>, vector<1x16xf32>,
        %get3A_322 = arith.index_cast %scan3A_309 : i32 to index
        %get3A_323 = arith.constant 16 : index
        %get3A_324 = tpu.vector_load %arg7[%get3A_322, %get3A_323] {strides = array<i32>} : memref<128x128xf32, #tpu.memory_space<vmem>>, vector<1x16xf32>,
        %get3A_325 = vector.shape_cast %get3A_324 : vector<1x16xf32> to vector<16xf32>
        %mul3A_326 = arith.constant 11.3137083 : f32
        %mul3A_327 = vector.broadcast %mul3A_326 : f32 to vector<16xf32>
        %mul3A_328 = arith.mulf %get3A_325, %mul3A_327 : vector<16xf32>
        %swap3A_329 = arith.index_cast %scan3A_309 : i32 to index
        %swap3A_330 = arith.constant 16 : index
        %swap3A_331 = tpu.vector_load %arg7[%swap3A_329, %swap3A_330] {strides = array<i32>} : memref<128x128xf32, #tpu.memory_space<vmem>>, vector<1x16xf32>,
        %swap3A_332 = vector.shape_cast %swap3A_331 : vector<1x16xf32> to vector<16xf32>
        %swap3A_333 = vector.shape_cast %mul3A_328 : vector<16xf32> to vector<1x16xf32>
        tpu.vector_store %arg7[%swap3A_329, %swap3A_330], %swap3A_333 {strides = array<i32>} : memref<128x128xf32, #tpu.memory_space<vmem>>, vector<1x16xf32>,
        %get3A_334 = arith.index_cast %scan3A_309 : i32 to index
        %get3A_335 = arith.constant 32 : index
        %get3A_336 = tpu.vector_load %arg7[%get3A_334, %get3A_335] {strides = array<i32>} : memref<128x128xf32, #tpu.memory_space<vmem>>, vector<1x16xf32>,
        %get3A_337 = vector.shape_cast %get3A_336 : vector<1x16xf32> to vector<16xf32>
        %mul3A_338 = arith.constant 11.3137083 : f32
        %mul3A_339 = vector.broadcast %mul3A_338 : f32 to vector<16xf32>
        %mul3A_340 = arith.mulf %get3A_337, %mul3A_339 : vector<16xf32>
        %swap3A_341 = arith.index_cast %scan3A_309 : i32 to index
        %swap3A_342 = arith.constant 32 : index
        %swap3A_343 = tpu.vector_load %arg7[%swap3A_341, %swap3A_342] {strides = array<i32>} : memref<128x128xf32, #tpu.memory_space<vmem>>, vector<1x16xf32>,
        %swap3A_344 = vector.shape_cast %swap3A_343 : vector<1x16xf32> to vector<16xf32>
        %swap3A_345 = vector.shape_cast %mul3A_340 : vector<16xf32> to vector<1x16xf32>
        tpu.vector_store %arg7[%swap3A_341, %swap3A_342], %swap3A_345 {strides = array<i32>} : memref<128x128xf32, #tpu.memory_space<vmem>>, vector<1x16xf32>,
        %get3A_346 = arith.index_cast %scan3A_309 : i32 to index
        %get3A_347 = arith.constant 48 : index
        %get3A_348 = tpu.vector_load %arg7[%get3A_346, %get3A_347] {strides = array<i32>} : memref<128x128xf32, #tpu.memory_space<vmem>>, vector<1x16xf32>,
        %get3A_349 = vector.shape_cast %get3A_348 : vector<1x16xf32> to vector<16xf32>
        %mul3A_350 = arith.constant 11.3137083 : f32
        %mul3A_351 = vector.broadcast %mul3A_350 : f32 to vector<16xf32>
        %mul3A_352 = arith.mulf %get3A_349, %mul3A_351 : vector<16xf32>
        %swap3A_353 = arith.index_cast %scan3A_309 : i32 to index
        %swap3A_354 = arith.constant 48 : index
        %swap3A_355 = tpu.vector_load %arg7[%swap3A_353, %swap3A_354] {strides = array<i32>} : memref<128x128xf32, #tpu.memory_space<vmem>>, vector<1x16xf32>,
        %swap3A_356 = vector.shape_cast %swap3A_355 : vector<1x16xf32> to vector<16xf32>
        %swap3A_357 = vector.shape_cast %mul3A_352 : vector<16xf32> to vector<1x16xf32>
        tpu.vector_store %arg7[%swap3A_353, %swap3A_354], %swap3A_357 {strides = array<i32>} : memref<128x128xf32, #tpu.memory_space<vmem>>, vector<1x16xf32>,
        %get3A_358 = arith.index_cast %scan3A_309 : i32 to index
        %get3A_359 = arith.constant 64 : index
        %get3A_360 = tpu.vector_load %arg7[%get3A_358, %get3A_359] {strides = array<i32>} : memref<128x128xf32, #tpu.memory_space<vmem>>, vector<1x16xf32>,
        %get3A_361 = vector.shape_cast %get3A_360 : vector<1x16xf32> to vector<16xf32>
        %mul3A_362 = arith.constant 11.3137083 : f32
        %mul3A_363 = vector.broadcast %mul3A_362 : f32 to vector<16xf32>
        %mul3A_364 = arith.mulf %get3A_361, %mul3A_363 : vector<16xf32>
        %swap3A_365 = arith.index_cast %scan3A_309 : i32 to index
        %swap3A_366 = arith.constant 64 : index
        %swap3A_367 = tpu.vector_load %arg7[%swap3A_365, %swap3A_366] {strides = array<i32>} : memref<128x128xf32, #tpu.memory_space<vmem>>, vector<1x16xf32>,
        %swap3A_368 = vector.shape_cast %swap3A_367 : vector<1x16xf32> to vector<16xf32>
        %swap3A_369 = vector.shape_cast %mul3A_364 : vector<16xf32> to vector<1x16xf32>
        tpu.vector_store %arg7[%swap3A_365, %swap3A_366], %swap3A_369 {strides = array<i32>} : memref<128x128xf32, #tpu.memory_space<vmem>>, vector<1x16xf32>,
        %get3A_370 = arith.index_cast %scan3A_309 : i32 to index
        %get3A_371 = arith.constant 80 : index
        %get3A_372 = tpu.vector_load %arg7[%get3A_370, %get3A_371] {strides = array<i32>} : memref<128x128xf32, #tpu.memory_space<vmem>>, vector<1x16xf32>,
        %get3A_373 = vector.shape_cast %get3A_372 : vector<1x16xf32> to vector<16xf32>
        %mul3A_374 = arith.constant 11.3137083 : f32
        %mul3A_375 = vector.broadcast %mul3A_374 : f32 to vector<16xf32>
        %mul3A_376 = arith.mulf %get3A_373, %mul3A_375 : vector<16xf32>
        %swap3A_377 = arith.index_cast %scan3A_309 : i32 to index
        %swap3A_378 = arith.constant 80 : index
        %swap3A_379 = tpu.vector_load %arg7[%swap3A_377, %swap3A_378] {strides = array<i32>} : memref<128x128xf32, #tpu.memory_space<vmem>>, vector<1x16xf32>,
        %swap3A_380 = vector.shape_cast %swap3A_379 : vector<1x16xf32> to vector<16xf32>
        %swap3A_381 = vector.shape_cast %mul3A_376 : vector<16xf32> to vector<1x16xf32>
        tpu.vector_store %arg7[%swap3A_377, %swap3A_378], %swap3A_381 {strides = array<i32>} : memref<128x128xf32, #tpu.memory_space<vmem>>, vector<1x16xf32>,
        %get3A_382 = arith.index_cast %scan3A_309 : i32 to index
        %get3A_383 = arith.constant 96 : index
        %get3A_384 = tpu.vector_load %arg7[%get3A_382, %get3A_383] {strides = array<i32>} : memref<128x128xf32, #tpu.memory_space<vmem>>, vector<1x16xf32>,
        %get3A_385 = vector.shape_cast %get3A_384 : vector<1x16xf32> to vector<16xf32>
        %mul3A_386 = arith.constant 11.3137083 : f32
        %mul3A_387 = vector.broadcast %mul3A_386 : f32 to vector<16xf32>
        %mul3A_388 = arith.mulf %get3A_385, %mul3A_387 : vector<16xf32>
        %swap3A_389 = arith.index_cast %scan3A_309 : i32 to index
        %swap3A_390 = arith.constant 96 : index
        %swap3A_391 = tpu.vector_load %arg7[%swap3A_389, %swap3A_390] {strides = array<i32>} : memref<128x128xf32, #tpu.memory_space<vmem>>, vector<1x16xf32>,
        %swap3A_392 = vector.shape_cast %swap3A_391 : vector<1x16xf32> to vector<16xf32>
        %swap3A_393 = vector.shape_cast %mul3A_388 : vector<16xf32> to vector<1x16xf32>
        tpu.vector_store %arg7[%swap3A_389, %swap3A_390], %swap3A_393 {strides = array<i32>} : memref<128x128xf32, #tpu.memory_space<vmem>>, vector<1x16xf32>,
        %get3A_394 = arith.index_cast %scan3A_309 : i32 to index
        %get3A_395 = arith.constant 112 : index
        %get3A_396 = tpu.vector_load %arg7[%get3A_394, %get3A_395] {strides = array<i32>} : memref<128x128xf32, #tpu.memory_space<vmem>>, vector<1x16xf32>,
        %get3A_397 = vector.shape_cast %get3A_396 : vector<1x16xf32> to vector<16xf32>
        %mul3A_398 = arith.constant 11.3137083 : f32
        %mul3A_399 = vector.broadcast %mul3A_398 : f32 to vector<16xf32>
        %mul3A_400 = arith.mulf %get3A_397, %mul3A_399 : vector<16xf32>
        %swap3A_401 = arith.index_cast %scan3A_309 : i32 to index
        %swap3A_402 = arith.constant 112 : index
        %swap3A_403 = tpu.vector_load %arg7[%swap3A_401, %swap3A_402] {strides = array<i32>} : memref<128x128xf32, #tpu.memory_space<vmem>>, vector<1x16xf32>,
        %swap3A_404 = vector.shape_cast %swap3A_403 : vector<1x16xf32> to vector<16xf32>
        %swap3A_405 = vector.shape_cast %mul3A_400 : vector<16xf32> to vector<1x16xf32>
        tpu.vector_store %arg7[%swap3A_401, %swap3A_402], %swap3A_405 {strides = array<i32>} : memref<128x128xf32, #tpu.memory_space<vmem>>, vector<1x16xf32>,
      }
      %scan3A_109 = arith.constant 128 : i32
      %mul3A_110 = arith.constant 128 : i32
      %mul3A_111 = arith.muli %add3A_88, %mul3A_110 : i32
      %add3A_112 = arith.addi %mul3A_2, %mul3A_111 : i32
      %dma_start3A_113 = arith.constant 0 : i32
      %dma_start3A_114 = tpu.memref_slice %arg4[%add3A_112, %dma_start3A_113] : memref<204800x128xf32, #tpu.memory_space<hbm>> -> memref<128x128xf32, #tpu.memory_space<hbm>>
      %dma_start3A_115 = arith.constant 0 : i32
      %dma_start3A_116 = tpu.memref_slice %arg4[%add3A_112, %dma_start3A_115] : memref<204800x128xf32, #tpu.memory_space<hbm>> -> memref<128x128xf32, #tpu.memory_space<hbm>>
      tpu.enqueue_dma source(%arg7 : memref<128x128xf32, #tpu.memory_space<vmem>>) target(%dma_start3A_116 : memref<128x128xf32, #tpu.memory_space<hbm>>) target_semaphore(%arg12 : memref<!tpu.dma_semaphore, #tpu.memory_space<semaphore_mem>>)
      %mul3A_117 = arith.constant 5 : i32
      %mul3A_118 = arith.muli %scan3A_56, %mul3A_117 : i32
      %add3A_119 = arith.constant 2 : i32
      %add3A_120 = arith.addi %mul3A_118, %add3A_119 : i32
      %mul3A_121 = arith.constant 128 : i32
      %mul3A_122 = arith.muli %add3A_120, %mul3A_121 : i32
      %dma_wait3A_123 = tpu.memref_slice %arg5[%mul3A_122] : memref<6400xi32, #tpu.memory_space<vmem>> -> memref<128xi32, #tpu.memory_space<vmem>>
      %dma_wait3A_124 = arith.constant 0 : i32
      %dma_wait3A_125 = arith.constant 0 : i32
      %dma_wait3A_126 = tpu.memref_slice %arg3[%dma_wait3A_124, %dma_wait3A_125] : memref<100000x128xf32, #tpu.memory_space<hbm>> -> memref<100000x128xf32, #tpu.memory_space<hbm>>
      tpu.wait_indirect_dma semaphore(%arg11 : memref<!tpu.dma_semaphore, #tpu.memory_space<semaphore_mem>>) src(%dma_wait3A_126 : memref<100000x128xf32, #tpu.memory_space<hbm>>) dst(%arg8 : memref<128x128xf32, #tpu.memory_space<vmem>>)
      %add3A_127 = arith.constant 5 : i32
      %add3A_128 = arith.addi %add3A_120, %add3A_127 : i32
      %sub3A_129 = arith.constant 1 : i32
      %sub3A_130 = arith.subi %add3A_128, %sub3A_129 : i32
      %lt3A_131 = arith.constant 50 : i32
      %lt3A_132 = arith.cmpi slt, %sub3A_130, %lt3A_131 : i32
      %convert_element_type3A_133 = arith.extui %lt3A_132 : i1 to i32
      %cond3A_134 = arith.constant 0 : i32
      %cond3A_135 = arith.cmpi ne, %convert_element_type3A_133, %cond3A_134 : i32
      scf.if %cond3A_135 {
        %ge3A = arith.constant 5 : i32
        %ge3A_213 = arith.cmpi sge, %sub3A_130, %ge3A : i32
        %convert_element_type3A_214 = arith.extui %ge3A_213 : i1 to i32
        %cond3A_215 = arith.constant 0 : i32
        %cond3A_216 = arith.cmpi ne, %convert_element_type3A_214, %cond3A_215 : i32
        scf.if %cond3A_216 {
          %sub3A_223 = arith.constant 5 : i32
          %sub3A_224 = arith.subi %sub3A_130, %sub3A_223 : i32
          %mul3A_225 = arith.constant 128 : i32
          %mul3A_226 = arith.muli %sub3A_224, %mul3A_225 : i32
          %add3A_227 = arith.addi %mul3A_2, %mul3A_226 : i32
          %dma_wait3A_228 = arith.constant 0 : i32
          %dma_wait3A_229 = tpu.memref_slice %arg4[%add3A_227, %dma_wait3A_228] : memref<204800x128xf32, #tpu.memory_space<hbm>> -> memref<128x128xf32, #tpu.memory_space<hbm>>
          %dma_wait3A_230 = arith.constant 0 : i32
          %dma_wait3A_231 = tpu.memref_slice %arg4[%add3A_227, %dma_wait3A_230] : memref<204800x128xf32, #tpu.memory_space<hbm>> -> memref<128x128xf32, #tpu.memory_space<hbm>>
          tpu.wait_dma2 semaphore(%arg12 : memref<!tpu.dma_semaphore, #tpu.memory_space<semaphore_mem>>) src(%arg7 : memref<128x128xf32, #tpu.memory_space<vmem>>) dst(%dma_wait3A_231 : memref<128x128xf32, #tpu.memory_space<hbm>>)
        } else {
        }
        %mul3A_217 = arith.constant 128 : i32
        %mul3A_218 = arith.muli %sub3A_130, %mul3A_217 : i32
        %dma_start3A_219 = tpu.memref_slice %arg5[%mul3A_218] : memref<6400xi32, #tpu.memory_space<vmem>> -> memref<128xi32, #tpu.memory_space<vmem>>
        %dma_start3A_220 = arith.constant 0 : i32
        %dma_start3A_221 = arith.constant 0 : i32
        %dma_start3A_222 = tpu.memref_slice %arg3[%dma_start3A_220, %dma_start3A_221] : memref<100000x128xf32, #tpu.memory_space<hbm>> -> memref<100000x128xf32, #tpu.memory_space<hbm>>
        tpu.enqueue_indirect_dma source(%dma_start3A_222 : memref<100000x128xf32, #tpu.memory_space<hbm>>) target(%arg7 : memref<128x128xf32, #tpu.memory_space<vmem>>) offsets(%dma_start3A_219 : memref<128xi32, #tpu.memory_space<vmem>>) semaphore(%arg11 : memref<!tpu.dma_semaphore, #tpu.memory_space<semaphore_mem>>)
      } else {
      }
      %scan3A_136 = arith.constant 0 : i32
      %scan3A_137 = arith.constant 0 : i32
      %scan3A_138 = arith.constant 128 : i32
      %scan3A_139 = arith.addi %scan3A_137, %scan3A_138 : i32
      %scan3A_140 = arith.constant 2 : i32
      scf.for %scan3A_213 = %scan3A_137 to %scan3A_139 step %scan3A_140  : i32 {
        %get3A = arith.index_cast %scan3A_213 : i32 to index
        %get3A_214 = arith.constant 0 : index
        %get3A_215 = tpu.vector_load %arg8[%get3A, %get3A_214] {strides = array<i32>} : memref<128x128xf32, #tpu.memory_space<vmem>>, vector<1x16xf32>,
        %get3A_216 = vector.shape_cast %get3A_215 : vector<1x16xf32> to vector<16xf32>
        %mul3A_217 = arith.constant 11.3137083 : f32
        %mul3A_218 = vector.broadcast %mul3A_217 : f32 to vector<16xf32>
        %mul3A_219 = arith.mulf %get3A_216, %mul3A_218 : vector<16xf32>
        %swap3A = arith.index_cast %scan3A_213 : i32 to index
        %swap3A_220 = arith.constant 0 : index
        %swap3A_221 = tpu.vector_load %arg8[%swap3A, %swap3A_220] {strides = array<i32>} : memref<128x128xf32, #tpu.memory_space<vmem>>, vector<1x16xf32>,
        %swap3A_222 = vector.shape_cast %swap3A_221 : vector<1x16xf32> to vector<16xf32>
        %swap3A_223 = vector.shape_cast %mul3A_219 : vector<16xf32> to vector<1x16xf32>
        tpu.vector_store %arg8[%swap3A, %swap3A_220], %swap3A_223 {strides = array<i32>} : memref<128x128xf32, #tpu.memory_space<vmem>>, vector<1x16xf32>,
        %get3A_224 = arith.index_cast %scan3A_213 : i32 to index
        %get3A_225 = arith.constant 16 : index
        %get3A_226 = tpu.vector_load %arg8[%get3A_224, %get3A_225] {strides = array<i32>} : memref<128x128xf32, #tpu.memory_space<vmem>>, vector<1x16xf32>,
        %get3A_227 = vector.shape_cast %get3A_226 : vector<1x16xf32> to vector<16xf32>
        %mul3A_228 = arith.constant 11.3137083 : f32
        %mul3A_229 = vector.broadcast %mul3A_228 : f32 to vector<16xf32>
        %mul3A_230 = arith.mulf %get3A_227, %mul3A_229 : vector<16xf32>
        %swap3A_231 = arith.index_cast %scan3A_213 : i32 to index
        %swap3A_232 = arith.constant 16 : index
        %swap3A_233 = tpu.vector_load %arg8[%swap3A_231, %swap3A_232] {strides = array<i32>} : memref<128x128xf32, #tpu.memory_space<vmem>>, vector<1x16xf32>,
        %swap3A_234 = vector.shape_cast %swap3A_233 : vector<1x16xf32> to vector<16xf32>
        %swap3A_235 = vector.shape_cast %mul3A_230 : vector<16xf32> to vector<1x16xf32>
        tpu.vector_store %arg8[%swap3A_231, %swap3A_232], %swap3A_235 {strides = array<i32>} : memref<128x128xf32, #tpu.memory_space<vmem>>, vector<1x16xf32>,
        %get3A_236 = arith.index_cast %scan3A_213 : i32 to index
        %get3A_237 = arith.constant 32 : index
        %get3A_238 = tpu.vector_load %arg8[%get3A_236, %get3A_237] {strides = array<i32>} : memref<128x128xf32, #tpu.memory_space<vmem>>, vector<1x16xf32>,
        %get3A_239 = vector.shape_cast %get3A_238 : vector<1x16xf32> to vector<16xf32>
        %mul3A_240 = arith.constant 11.3137083 : f32
        %mul3A_241 = vector.broadcast %mul3A_240 : f32 to vector<16xf32>
        %mul3A_242 = arith.mulf %get3A_239, %mul3A_241 : vector<16xf32>
        %swap3A_243 = arith.index_cast %scan3A_213 : i32 to index
        %swap3A_244 = arith.constant 32 : index
        %swap3A_245 = tpu.vector_load %arg8[%swap3A_243, %swap3A_244] {strides = array<i32>} : memref<128x128xf32, #tpu.memory_space<vmem>>, vector<1x16xf32>,
        %swap3A_246 = vector.shape_cast %swap3A_245 : vector<1x16xf32> to vector<16xf32>
        %swap3A_247 = vector.shape_cast %mul3A_242 : vector<16xf32> to vector<1x16xf32>
        tpu.vector_store %arg8[%swap3A_243, %swap3A_244], %swap3A_247 {strides = array<i32>} : memref<128x128xf32, #tpu.memory_space<vmem>>, vector<1x16xf32>,
        %get3A_248 = arith.index_cast %scan3A_213 : i32 to index
        %get3A_249 = arith.constant 48 : index
        %get3A_250 = tpu.vector_load %arg8[%get3A_248, %get3A_249] {strides = array<i32>} : memref<128x128xf32, #tpu.memory_space<vmem>>, vector<1x16xf32>,
        %get3A_251 = vector.shape_cast %get3A_250 : vector<1x16xf32> to vector<16xf32>
        %mul3A_252 = arith.constant 11.3137083 : f32
        %mul3A_253 = vector.broadcast %mul3A_252 : f32 to vector<16xf32>
        %mul3A_254 = arith.mulf %get3A_251, %mul3A_253 : vector<16xf32>
        %swap3A_255 = arith.index_cast %scan3A_213 : i32 to index
        %swap3A_256 = arith.constant 48 : index
        %swap3A_257 = tpu.vector_load %arg8[%swap3A_255, %swap3A_256] {strides = array<i32>} : memref<128x128xf32, #tpu.memory_space<vmem>>, vector<1x16xf32>,
        %swap3A_258 = vector.shape_cast %swap3A_257 : vector<1x16xf32> to vector<16xf32>
        %swap3A_259 = vector.shape_cast %mul3A_254 : vector<16xf32> to vector<1x16xf32>
        tpu.vector_store %arg8[%swap3A_255, %swap3A_256], %swap3A_259 {strides = array<i32>} : memref<128x128xf32, #tpu.memory_space<vmem>>, vector<1x16xf32>,
        %get3A_260 = arith.index_cast %scan3A_213 : i32 to index
        %get3A_261 = arith.constant 64 : index
        %get3A_262 = tpu.vector_load %arg8[%get3A_260, %get3A_261] {strides = array<i32>} : memref<128x128xf32, #tpu.memory_space<vmem>>, vector<1x16xf32>,
        %get3A_263 = vector.shape_cast %get3A_262 : vector<1x16xf32> to vector<16xf32>
        %mul3A_264 = arith.constant 11.3137083 : f32
        %mul3A_265 = vector.broadcast %mul3A_264 : f32 to vector<16xf32>
        %mul3A_266 = arith.mulf %get3A_263, %mul3A_265 : vector<16xf32>
        %swap3A_267 = arith.index_cast %scan3A_213 : i32 to index
        %swap3A_268 = arith.constant 64 : index
        %swap3A_269 = tpu.vector_load %arg8[%swap3A_267, %swap3A_268] {strides = array<i32>} : memref<128x128xf32, #tpu.memory_space<vmem>>, vector<1x16xf32>,
        %swap3A_270 = vector.shape_cast %swap3A_269 : vector<1x16xf32> to vector<16xf32>
        %swap3A_271 = vector.shape_cast %mul3A_266 : vector<16xf32> to vector<1x16xf32>
        tpu.vector_store %arg8[%swap3A_267, %swap3A_268], %swap3A_271 {strides = array<i32>} : memref<128x128xf32, #tpu.memory_space<vmem>>, vector<1x16xf32>,
        %get3A_272 = arith.index_cast %scan3A_213 : i32 to index
        %get3A_273 = arith.constant 80 : index
        %get3A_274 = tpu.vector_load %arg8[%get3A_272, %get3A_273] {strides = array<i32>} : memref<128x128xf32, #tpu.memory_space<vmem>>, vector<1x16xf32>,
        %get3A_275 = vector.shape_cast %get3A_274 : vector<1x16xf32> to vector<16xf32>
        %mul3A_276 = arith.constant 11.3137083 : f32
        %mul3A_277 = vector.broadcast %mul3A_276 : f32 to vector<16xf32>
        %mul3A_278 = arith.mulf %get3A_275, %mul3A_277 : vector<16xf32>
        %swap3A_279 = arith.index_cast %scan3A_213 : i32 to index
        %swap3A_280 = arith.constant 80 : index
        %swap3A_281 = tpu.vector_load %arg8[%swap3A_279, %swap3A_280] {strides = array<i32>} : memref<128x128xf32, #tpu.memory_space<vmem>>, vector<1x16xf32>,
        %swap3A_282 = vector.shape_cast %swap3A_281 : vector<1x16xf32> to vector<16xf32>
        %swap3A_283 = vector.shape_cast %mul3A_278 : vector<16xf32> to vector<1x16xf32>
        tpu.vector_store %arg8[%swap3A_279, %swap3A_280], %swap3A_283 {strides = array<i32>} : memref<128x128xf32, #tpu.memory_space<vmem>>, vector<1x16xf32>,
        %get3A_284 = arith.index_cast %scan3A_213 : i32 to index
        %get3A_285 = arith.constant 96 : index
        %get3A_286 = tpu.vector_load %arg8[%get3A_284, %get3A_285] {strides = array<i32>} : memref<128x128xf32, #tpu.memory_space<vmem>>, vector<1x16xf32>,
        %get3A_287 = vector.shape_cast %get3A_286 : vector<1x16xf32> to vector<16xf32>
        %mul3A_288 = arith.constant 11.3137083 : f32
        %mul3A_289 = vector.broadcast %mul3A_288 : f32 to vector<16xf32>
        %mul3A_290 = arith.mulf %get3A_287, %mul3A_289 : vector<16xf32>
        %swap3A_291 = arith.index_cast %scan3A_213 : i32 to index
        %swap3A_292 = arith.constant 96 : index
        %swap3A_293 = tpu.vector_load %arg8[%swap3A_291, %swap3A_292] {strides = array<i32>} : memref<128x128xf32, #tpu.memory_space<vmem>>, vector<1x16xf32>,
        %swap3A_294 = vector.shape_cast %swap3A_293 : vector<1x16xf32> to vector<16xf32>
        %swap3A_295 = vector.shape_cast %mul3A_290 : vector<16xf32> to vector<1x16xf32>
        tpu.vector_store %arg8[%swap3A_291, %swap3A_292], %swap3A_295 {strides = array<i32>} : memref<128x128xf32, #tpu.memory_space<vmem>>, vector<1x16xf32>,
        %get3A_296 = arith.index_cast %scan3A_213 : i32 to index
        %get3A_297 = arith.constant 112 : index
        %get3A_298 = tpu.vector_load %arg8[%get3A_296, %get3A_297] {strides = array<i32>} : memref<128x128xf32, #tpu.memory_space<vmem>>, vector<1x16xf32>,
        %get3A_299 = vector.shape_cast %get3A_298 : vector<1x16xf32> to vector<16xf32>
        %mul3A_300 = arith.constant 11.3137083 : f32
        %mul3A_301 = vector.broadcast %mul3A_300 : f32 to vector<16xf32>
        %mul3A_302 = arith.mulf %get3A_299, %mul3A_301 : vector<16xf32>
        %swap3A_303 = arith.index_cast %scan3A_213 : i32 to index
        %swap3A_304 = arith.constant 112 : index
        %swap3A_305 = tpu.vector_load %arg8[%swap3A_303, %swap3A_304] {strides = array<i32>} : memref<128x128xf32, #tpu.memory_space<vmem>>, vector<1x16xf32>,
        %swap3A_306 = vector.shape_cast %swap3A_305 : vector<1x16xf32> to vector<16xf32>
        %swap3A_307 = vector.shape_cast %mul3A_302 : vector<16xf32> to vector<1x16xf32>
        tpu.vector_store %arg8[%swap3A_303, %swap3A_304], %swap3A_307 {strides = array<i32>} : memref<128x128xf32, #tpu.memory_space<vmem>>, vector<1x16xf32>,
        %scan3A_308 = arith.constant 1 : i32
        %scan3A_309 = arith.addi %scan3A_213, %scan3A_308 : i32
        %get3A_310 = arith.index_cast %scan3A_309 : i32 to index
        %get3A_311 = arith.constant 0 : index
        %get3A_312 = tpu.vector_load %arg8[%get3A_310, %get3A_311] {strides = array<i32>} : memref<128x128xf32, #tpu.memory_space<vmem>>, vector<1x16xf32>,
        %get3A_313 = vector.shape_cast %get3A_312 : vector<1x16xf32> to vector<16xf32>
        %mul3A_314 = arith.constant 11.3137083 : f32
        %mul3A_315 = vector.broadcast %mul3A_314 : f32 to vector<16xf32>
        %mul3A_316 = arith.mulf %get3A_313, %mul3A_315 : vector<16xf32>
        %swap3A_317 = arith.index_cast %scan3A_309 : i32 to index
        %swap3A_318 = arith.constant 0 : index
        %swap3A_319 = tpu.vector_load %arg8[%swap3A_317, %swap3A_318] {strides = array<i32>} : memref<128x128xf32, #tpu.memory_space<vmem>>, vector<1x16xf32>,
        %swap3A_320 = vector.shape_cast %swap3A_319 : vector<1x16xf32> to vector<16xf32>
        %swap3A_321 = vector.shape_cast %mul3A_316 : vector<16xf32> to vector<1x16xf32>
        tpu.vector_store %arg8[%swap3A_317, %swap3A_318], %swap3A_321 {strides = array<i32>} : memref<128x128xf32, #tpu.memory_space<vmem>>, vector<1x16xf32>,
        %get3A_322 = arith.index_cast %scan3A_309 : i32 to index
        %get3A_323 = arith.constant 16 : index
        %get3A_324 = tpu.vector_load %arg8[%get3A_322, %get3A_323] {strides = array<i32>} : memref<128x128xf32, #tpu.memory_space<vmem>>, vector<1x16xf32>,
        %get3A_325 = vector.shape_cast %get3A_324 : vector<1x16xf32> to vector<16xf32>
        %mul3A_326 = arith.constant 11.3137083 : f32
        %mul3A_327 = vector.broadcast %mul3A_326 : f32 to vector<16xf32>
        %mul3A_328 = arith.mulf %get3A_325, %mul3A_327 : vector<16xf32>
        %swap3A_329 = arith.index_cast %scan3A_309 : i32 to index
        %swap3A_330 = arith.constant 16 : index
        %swap3A_331 = tpu.vector_load %arg8[%swap3A_329, %swap3A_330] {strides = array<i32>} : memref<128x128xf32, #tpu.memory_space<vmem>>, vector<1x16xf32>,
        %swap3A_332 = vector.shape_cast %swap3A_331 : vector<1x16xf32> to vector<16xf32>
        %swap3A_333 = vector.shape_cast %mul3A_328 : vector<16xf32> to vector<1x16xf32>
        tpu.vector_store %arg8[%swap3A_329, %swap3A_330], %swap3A_333 {strides = array<i32>} : memref<128x128xf32, #tpu.memory_space<vmem>>, vector<1x16xf32>,
        %get3A_334 = arith.index_cast %scan3A_309 : i32 to index
        %get3A_335 = arith.constant 32 : index
        %get3A_336 = tpu.vector_load %arg8[%get3A_334, %get3A_335] {strides = array<i32>} : memref<128x128xf32, #tpu.memory_space<vmem>>, vector<1x16xf32>,
        %get3A_337 = vector.shape_cast %get3A_336 : vector<1x16xf32> to vector<16xf32>
        %mul3A_338 = arith.constant 11.3137083 : f32
        %mul3A_339 = vector.broadcast %mul3A_338 : f32 to vector<16xf32>
        %mul3A_340 = arith.mulf %get3A_337, %mul3A_339 : vector<16xf32>
        %swap3A_341 = arith.index_cast %scan3A_309 : i32 to index
        %swap3A_342 = arith.constant 32 : index
        %swap3A_343 = tpu.vector_load %arg8[%swap3A_341, %swap3A_342] {strides = array<i32>} : memref<128x128xf32, #tpu.memory_space<vmem>>, vector<1x16xf32>,
        %swap3A_344 = vector.shape_cast %swap3A_343 : vector<1x16xf32> to vector<16xf32>
        %swap3A_345 = vector.shape_cast %mul3A_340 : vector<16xf32> to vector<1x16xf32>
        tpu.vector_store %arg8[%swap3A_341, %swap3A_342], %swap3A_345 {strides = array<i32>} : memref<128x128xf32, #tpu.memory_space<vmem>>, vector<1x16xf32>,
        %get3A_346 = arith.index_cast %scan3A_309 : i32 to index
        %get3A_347 = arith.constant 48 : index
        %get3A_348 = tpu.vector_load %arg8[%get3A_346, %get3A_347] {strides = array<i32>} : memref<128x128xf32, #tpu.memory_space<vmem>>, vector<1x16xf32>,
        %get3A_349 = vector.shape_cast %get3A_348 : vector<1x16xf32> to vector<16xf32>
        %mul3A_350 = arith.constant 11.3137083 : f32
        %mul3A_351 = vector.broadcast %mul3A_350 : f32 to vector<16xf32>
        %mul3A_352 = arith.mulf %get3A_349, %mul3A_351 : vector<16xf32>
        %swap3A_353 = arith.index_cast %scan3A_309 : i32 to index
        %swap3A_354 = arith.constant 48 : index
        %swap3A_355 = tpu.vector_load %arg8[%swap3A_353, %swap3A_354] {strides = array<i32>} : memref<128x128xf32, #tpu.memory_space<vmem>>, vector<1x16xf32>,
        %swap3A_356 = vector.shape_cast %swap3A_355 : vector<1x16xf32> to vector<16xf32>
        %swap3A_357 = vector.shape_cast %mul3A_352 : vector<16xf32> to vector<1x16xf32>
        tpu.vector_store %arg8[%swap3A_353, %swap3A_354], %swap3A_357 {strides = array<i32>} : memref<128x128xf32, #tpu.memory_space<vmem>>, vector<1x16xf32>,
        %get3A_358 = arith.index_cast %scan3A_309 : i32 to index
        %get3A_359 = arith.constant 64 : index
        %get3A_360 = tpu.vector_load %arg8[%get3A_358, %get3A_359] {strides = array<i32>} : memref<128x128xf32, #tpu.memory_space<vmem>>, vector<1x16xf32>,
        %get3A_361 = vector.shape_cast %get3A_360 : vector<1x16xf32> to vector<16xf32>
        %mul3A_362 = arith.constant 11.3137083 : f32
        %mul3A_363 = vector.broadcast %mul3A_362 : f32 to vector<16xf32>
        %mul3A_364 = arith.mulf %get3A_361, %mul3A_363 : vector<16xf32>
        %swap3A_365 = arith.index_cast %scan3A_309 : i32 to index
        %swap3A_366 = arith.constant 64 : index
        %swap3A_367 = tpu.vector_load %arg8[%swap3A_365, %swap3A_366] {strides = array<i32>} : memref<128x128xf32, #tpu.memory_space<vmem>>, vector<1x16xf32>,
        %swap3A_368 = vector.shape_cast %swap3A_367 : vector<1x16xf32> to vector<16xf32>
        %swap3A_369 = vector.shape_cast %mul3A_364 : vector<16xf32> to vector<1x16xf32>
        tpu.vector_store %arg8[%swap3A_365, %swap3A_366], %swap3A_369 {strides = array<i32>} : memref<128x128xf32, #tpu.memory_space<vmem>>, vector<1x16xf32>,
        %get3A_370 = arith.index_cast %scan3A_309 : i32 to index
        %get3A_371 = arith.constant 80 : index
        %get3A_372 = tpu.vector_load %arg8[%get3A_370, %get3A_371] {strides = array<i32>} : memref<128x128xf32, #tpu.memory_space<vmem>>, vector<1x16xf32>,
        %get3A_373 = vector.shape_cast %get3A_372 : vector<1x16xf32> to vector<16xf32>
        %mul3A_374 = arith.constant 11.3137083 : f32
        %mul3A_375 = vector.broadcast %mul3A_374 : f32 to vector<16xf32>
        %mul3A_376 = arith.mulf %get3A_373, %mul3A_375 : vector<16xf32>
        %swap3A_377 = arith.index_cast %scan3A_309 : i32 to index
        %swap3A_378 = arith.constant 80 : index
        %swap3A_379 = tpu.vector_load %arg8[%swap3A_377, %swap3A_378] {strides = array<i32>} : memref<128x128xf32, #tpu.memory_space<vmem>>, vector<1x16xf32>,
        %swap3A_380 = vector.shape_cast %swap3A_379 : vector<1x16xf32> to vector<16xf32>
        %swap3A_381 = vector.shape_cast %mul3A_376 : vector<16xf32> to vector<1x16xf32>
        tpu.vector_store %arg8[%swap3A_377, %swap3A_378], %swap3A_381 {strides = array<i32>} : memref<128x128xf32, #tpu.memory_space<vmem>>, vector<1x16xf32>,
        %get3A_382 = arith.index_cast %scan3A_309 : i32 to index
        %get3A_383 = arith.constant 96 : index
        %get3A_384 = tpu.vector_load %arg8[%get3A_382, %get3A_383] {strides = array<i32>} : memref<128x128xf32, #tpu.memory_space<vmem>>, vector<1x16xf32>,
        %get3A_385 = vector.shape_cast %get3A_384 : vector<1x16xf32> to vector<16xf32>
        %mul3A_386 = arith.constant 11.3137083 : f32
        %mul3A_387 = vector.broadcast %mul3A_386 : f32 to vector<16xf32>
        %mul3A_388 = arith.mulf %get3A_385, %mul3A_387 : vector<16xf32>
        %swap3A_389 = arith.index_cast %scan3A_309 : i32 to index
        %swap3A_390 = arith.constant 96 : index
        %swap3A_391 = tpu.vector_load %arg8[%swap3A_389, %swap3A_390] {strides = array<i32>} : memref<128x128xf32, #tpu.memory_space<vmem>>, vector<1x16xf32>,
        %swap3A_392 = vector.shape_cast %swap3A_391 : vector<1x16xf32> to vector<16xf32>
        %swap3A_393 = vector.shape_cast %mul3A_388 : vector<16xf32> to vector<1x16xf32>
        tpu.vector_store %arg8[%swap3A_389, %swap3A_390], %swap3A_393 {strides = array<i32>} : memref<128x128xf32, #tpu.memory_space<vmem>>, vector<1x16xf32>,
        %get3A_394 = arith.index_cast %scan3A_309 : i32 to index
        %get3A_395 = arith.constant 112 : index
        %get3A_396 = tpu.vector_load %arg8[%get3A_394, %get3A_395] {strides = array<i32>} : memref<128x128xf32, #tpu.memory_space<vmem>>, vector<1x16xf32>,
        %get3A_397 = vector.shape_cast %get3A_396 : vector<1x16xf32> to vector<16xf32>
        %mul3A_398 = arith.constant 11.3137083 : f32
        %mul3A_399 = vector.broadcast %mul3A_398 : f32 to vector<16xf32>
        %mul3A_400 = arith.mulf %get3A_397, %mul3A_399 : vector<16xf32>
        %swap3A_401 = arith.index_cast %scan3A_309 : i32 to index
        %swap3A_402 = arith.constant 112 : index
        %swap3A_403 = tpu.vector_load %arg8[%swap3A_401, %swap3A_402] {strides = array<i32>} : memref<128x128xf32, #tpu.memory_space<vmem>>, vector<1x16xf32>,
        %swap3A_404 = vector.shape_cast %swap3A_403 : vector<1x16xf32> to vector<16xf32>
        %swap3A_405 = vector.shape_cast %mul3A_400 : vector<16xf32> to vector<1x16xf32>
        tpu.vector_store %arg8[%swap3A_401, %swap3A_402], %swap3A_405 {strides = array<i32>} : memref<128x128xf32, #tpu.memory_space<vmem>>, vector<1x16xf32>,
      }
      %scan3A_141 = arith.constant 128 : i32
      %mul3A_142 = arith.constant 128 : i32
      %mul3A_143 = arith.muli %add3A_120, %mul3A_142 : i32
      %add3A_144 = arith.addi %mul3A_2, %mul3A_143 : i32
      %dma_start3A_145 = arith.constant 0 : i32
      %dma_start3A_146 = tpu.memref_slice %arg4[%add3A_144, %dma_start3A_145] : memref<204800x128xf32, #tpu.memory_space<hbm>> -> memref<128x128xf32, #tpu.memory_space<hbm>>
      %dma_start3A_147 = arith.constant 0 : i32
      %dma_start3A_148 = tpu.memref_slice %arg4[%add3A_144, %dma_start3A_147] : memref<204800x128xf32, #tpu.memory_space<hbm>> -> memref<128x128xf32, #tpu.memory_space<hbm>>
      tpu.enqueue_dma source(%arg8 : memref<128x128xf32, #tpu.memory_space<vmem>>) target(%dma_start3A_148 : memref<128x128xf32, #tpu.memory_space<hbm>>) target_semaphore(%arg12 : memref<!tpu.dma_semaphore, #tpu.memory_space<semaphore_mem>>)
      %mul3A_149 = arith.constant 5 : i32
      %mul3A_150 = arith.muli %scan3A_56, %mul3A_149 : i32
      %add3A_151 = arith.constant 3 : i32
      %add3A_152 = arith.addi %mul3A_150, %add3A_151 : i32
      %mul3A_153 = arith.constant 128 : i32
      %mul3A_154 = arith.muli %add3A_152, %mul3A_153 : i32
      %dma_wait3A_155 = tpu.memref_slice %arg5[%mul3A_154] : memref<6400xi32, #tpu.memory_space<vmem>> -> memref<128xi32, #tpu.memory_space<vmem>>
      %dma_wait3A_156 = arith.constant 0 : i32
      %dma_wait3A_157 = arith.constant 0 : i32
      %dma_wait3A_158 = tpu.memref_slice %arg3[%dma_wait3A_156, %dma_wait3A_157] : memref<100000x128xf32, #tpu.memory_space<hbm>> -> memref<100000x128xf32, #tpu.memory_space<hbm>>
      tpu.wait_indirect_dma semaphore(%arg11 : memref<!tpu.dma_semaphore, #tpu.memory_space<semaphore_mem>>) src(%dma_wait3A_158 : memref<100000x128xf32, #tpu.memory_space<hbm>>) dst(%arg9 : memref<128x128xf32, #tpu.memory_space<vmem>>)
      %add3A_159 = arith.constant 5 : i32
      %add3A_160 = arith.addi %add3A_152, %add3A_159 : i32
      %sub3A_161 = arith.constant 1 : i32
      %sub3A_162 = arith.subi %add3A_160, %sub3A_161 : i32
      %lt3A_163 = arith.constant 50 : i32
      %lt3A_164 = arith.cmpi slt, %sub3A_162, %lt3A_163 : i32
      %convert_element_type3A_165 = arith.extui %lt3A_164 : i1 to i32
      %cond3A_166 = arith.constant 0 : i32
      %cond3A_167 = arith.cmpi ne, %convert_element_type3A_165, %cond3A_166 : i32
      scf.if %cond3A_167 {
        %ge3A = arith.constant 5 : i32
        %ge3A_213 = arith.cmpi sge, %sub3A_162, %ge3A : i32
        %convert_element_type3A_214 = arith.extui %ge3A_213 : i1 to i32
        %cond3A_215 = arith.constant 0 : i32
        %cond3A_216 = arith.cmpi ne, %convert_element_type3A_214, %cond3A_215 : i32
        scf.if %cond3A_216 {
          %sub3A_223 = arith.constant 5 : i32
          %sub3A_224 = arith.subi %sub3A_162, %sub3A_223 : i32
          %mul3A_225 = arith.constant 128 : i32
          %mul3A_226 = arith.muli %sub3A_224, %mul3A_225 : i32
          %add3A_227 = arith.addi %mul3A_2, %mul3A_226 : i32
          %dma_wait3A_228 = arith.constant 0 : i32
          %dma_wait3A_229 = tpu.memref_slice %arg4[%add3A_227, %dma_wait3A_228] : memref<204800x128xf32, #tpu.memory_space<hbm>> -> memref<128x128xf32, #tpu.memory_space<hbm>>
          %dma_wait3A_230 = arith.constant 0 : i32
          %dma_wait3A_231 = tpu.memref_slice %arg4[%add3A_227, %dma_wait3A_230] : memref<204800x128xf32, #tpu.memory_space<hbm>> -> memref<128x128xf32, #tpu.memory_space<hbm>>
          tpu.wait_dma2 semaphore(%arg12 : memref<!tpu.dma_semaphore, #tpu.memory_space<semaphore_mem>>) src(%arg8 : memref<128x128xf32, #tpu.memory_space<vmem>>) dst(%dma_wait3A_231 : memref<128x128xf32, #tpu.memory_space<hbm>>)
        } else {
        }
        %mul3A_217 = arith.constant 128 : i32
        %mul3A_218 = arith.muli %sub3A_162, %mul3A_217 : i32
        %dma_start3A_219 = tpu.memref_slice %arg5[%mul3A_218] : memref<6400xi32, #tpu.memory_space<vmem>> -> memref<128xi32, #tpu.memory_space<vmem>>
        %dma_start3A_220 = arith.constant 0 : i32
        %dma_start3A_221 = arith.constant 0 : i32
        %dma_start3A_222 = tpu.memref_slice %arg3[%dma_start3A_220, %dma_start3A_221] : memref<100000x128xf32, #tpu.memory_space<hbm>> -> memref<100000x128xf32, #tpu.memory_space<hbm>>
        tpu.enqueue_indirect_dma source(%dma_start3A_222 : memref<100000x128xf32, #tpu.memory_space<hbm>>) target(%arg8 : memref<128x128xf32, #tpu.memory_space<vmem>>) offsets(%dma_start3A_219 : memref<128xi32, #tpu.memory_space<vmem>>) semaphore(%arg11 : memref<!tpu.dma_semaphore, #tpu.memory_space<semaphore_mem>>)
      } else {
      }
      %scan3A_168 = arith.constant 0 : i32
      %scan3A_169 = arith.constant 0 : i32
      %scan3A_170 = arith.constant 128 : i32
      %scan3A_171 = arith.addi %scan3A_169, %scan3A_170 : i32
      %scan3A_172 = arith.constant 2 : i32
      scf.for %scan3A_213 = %scan3A_169 to %scan3A_171 step %scan3A_172  : i32 {
        %get3A = arith.index_cast %scan3A_213 : i32 to index
        %get3A_214 = arith.constant 0 : index
        %get3A_215 = tpu.vector_load %arg9[%get3A, %get3A_214] {strides = array<i32>} : memref<128x128xf32, #tpu.memory_space<vmem>>, vector<1x16xf32>,
        %get3A_216 = vector.shape_cast %get3A_215 : vector<1x16xf32> to vector<16xf32>
        %mul3A_217 = arith.constant 11.3137083 : f32
        %mul3A_218 = vector.broadcast %mul3A_217 : f32 to vector<16xf32>
        %mul3A_219 = arith.mulf %get3A_216, %mul3A_218 : vector<16xf32>
        %swap3A = arith.index_cast %scan3A_213 : i32 to index
        %swap3A_220 = arith.constant 0 : index
        %swap3A_221 = tpu.vector_load %arg9[%swap3A, %swap3A_220] {strides = array<i32>} : memref<128x128xf32, #tpu.memory_space<vmem>>, vector<1x16xf32>,
        %swap3A_222 = vector.shape_cast %swap3A_221 : vector<1x16xf32> to vector<16xf32>
        %swap3A_223 = vector.shape_cast %mul3A_219 : vector<16xf32> to vector<1x16xf32>
        tpu.vector_store %arg9[%swap3A, %swap3A_220], %swap3A_223 {strides = array<i32>} : memref<128x128xf32, #tpu.memory_space<vmem>>, vector<1x16xf32>,
        %get3A_224 = arith.index_cast %scan3A_213 : i32 to index
        %get3A_225 = arith.constant 16 : index
        %get3A_226 = tpu.vector_load %arg9[%get3A_224, %get3A_225] {strides = array<i32>} : memref<128x128xf32, #tpu.memory_space<vmem>>, vector<1x16xf32>,
        %get3A_227 = vector.shape_cast %get3A_226 : vector<1x16xf32> to vector<16xf32>
        %mul3A_228 = arith.constant 11.3137083 : f32
        %mul3A_229 = vector.broadcast %mul3A_228 : f32 to vector<16xf32>
        %mul3A_230 = arith.mulf %get3A_227, %mul3A_229 : vector<16xf32>
        %swap3A_231 = arith.index_cast %scan3A_213 : i32 to index
        %swap3A_232 = arith.constant 16 : index
        %swap3A_233 = tpu.vector_load %arg9[%swap3A_231, %swap3A_232] {strides = array<i32>} : memref<128x128xf32, #tpu.memory_space<vmem>>, vector<1x16xf32>,
        %swap3A_234 = vector.shape_cast %swap3A_233 : vector<1x16xf32> to vector<16xf32>
        %swap3A_235 = vector.shape_cast %mul3A_230 : vector<16xf32> to vector<1x16xf32>
        tpu.vector_store %arg9[%swap3A_231, %swap3A_232], %swap3A_235 {strides = array<i32>} : memref<128x128xf32, #tpu.memory_space<vmem>>, vector<1x16xf32>,
        %get3A_236 = arith.index_cast %scan3A_213 : i32 to index
        %get3A_237 = arith.constant 32 : index
        %get3A_238 = tpu.vector_load %arg9[%get3A_236, %get3A_237] {strides = array<i32>} : memref<128x128xf32, #tpu.memory_space<vmem>>, vector<1x16xf32>,
        %get3A_239 = vector.shape_cast %get3A_238 : vector<1x16xf32> to vector<16xf32>
        %mul3A_240 = arith.constant 11.3137083 : f32
        %mul3A_241 = vector.broadcast %mul3A_240 : f32 to vector<16xf32>
        %mul3A_242 = arith.mulf %get3A_239, %mul3A_241 : vector<16xf32>
        %swap3A_243 = arith.index_cast %scan3A_213 : i32 to index
        %swap3A_244 = arith.constant 32 : index
        %swap3A_245 = tpu.vector_load %arg9[%swap3A_243, %swap3A_244] {strides = array<i32>} : memref<128x128xf32, #tpu.memory_space<vmem>>, vector<1x16xf32>,
        %swap3A_246 = vector.shape_cast %swap3A_245 : vector<1x16xf32> to vector<16xf32>
        %swap3A_247 = vector.shape_cast %mul3A_242 : vector<16xf32> to vector<1x16xf32>
        tpu.vector_store %arg9[%swap3A_243, %swap3A_244], %swap3A_247 {strides = array<i32>} : memref<128x128xf32, #tpu.memory_space<vmem>>, vector<1x16xf32>,
        %get3A_248 = arith.index_cast %scan3A_213 : i32 to index
        %get3A_249 = arith.constant 48 : index
        %get3A_250 = tpu.vector_load %arg9[%get3A_248, %get3A_249] {strides = array<i32>} : memref<128x128xf32, #tpu.memory_space<vmem>>, vector<1x16xf32>,
        %get3A_251 = vector.shape_cast %get3A_250 : vector<1x16xf32> to vector<16xf32>
        %mul3A_252 = arith.constant 11.3137083 : f32
        %mul3A_253 = vector.broadcast %mul3A_252 : f32 to vector<16xf32>
        %mul3A_254 = arith.mulf %get3A_251, %mul3A_253 : vector<16xf32>
        %swap3A_255 = arith.index_cast %scan3A_213 : i32 to index
        %swap3A_256 = arith.constant 48 : index
        %swap3A_257 = tpu.vector_load %arg9[%swap3A_255, %swap3A_256] {strides = array<i32>} : memref<128x128xf32, #tpu.memory_space<vmem>>, vector<1x16xf32>,
        %swap3A_258 = vector.shape_cast %swap3A_257 : vector<1x16xf32> to vector<16xf32>
        %swap3A_259 = vector.shape_cast %mul3A_254 : vector<16xf32> to vector<1x16xf32>
        tpu.vector_store %arg9[%swap3A_255, %swap3A_256], %swap3A_259 {strides = array<i32>} : memref<128x128xf32, #tpu.memory_space<vmem>>, vector<1x16xf32>,
        %get3A_260 = arith.index_cast %scan3A_213 : i32 to index
        %get3A_261 = arith.constant 64 : index
        %get3A_262 = tpu.vector_load %arg9[%get3A_260, %get3A_261] {strides = array<i32>} : memref<128x128xf32, #tpu.memory_space<vmem>>, vector<1x16xf32>,
        %get3A_263 = vector.shape_cast %get3A_262 : vector<1x16xf32> to vector<16xf32>
        %mul3A_264 = arith.constant 11.3137083 : f32
        %mul3A_265 = vector.broadcast %mul3A_264 : f32 to vector<16xf32>
        %mul3A_266 = arith.mulf %get3A_263, %mul3A_265 : vector<16xf32>
        %swap3A_267 = arith.index_cast %scan3A_213 : i32 to index
        %swap3A_268 = arith.constant 64 : index
        %swap3A_269 = tpu.vector_load %arg9[%swap3A_267, %swap3A_268] {strides = array<i32>} : memref<128x128xf32, #tpu.memory_space<vmem>>, vector<1x16xf32>,
        %swap3A_270 = vector.shape_cast %swap3A_269 : vector<1x16xf32> to vector<16xf32>
        %swap3A_271 = vector.shape_cast %mul3A_266 : vector<16xf32> to vector<1x16xf32>
        tpu.vector_store %arg9[%swap3A_267, %swap3A_268], %swap3A_271 {strides = array<i32>} : memref<128x128xf32, #tpu.memory_space<vmem>>, vector<1x16xf32>,
        %get3A_272 = arith.index_cast %scan3A_213 : i32 to index
        %get3A_273 = arith.constant 80 : index
        %get3A_274 = tpu.vector_load %arg9[%get3A_272, %get3A_273] {strides = array<i32>} : memref<128x128xf32, #tpu.memory_space<vmem>>, vector<1x16xf32>,
        %get3A_275 = vector.shape_cast %get3A_274 : vector<1x16xf32> to vector<16xf32>
        %mul3A_276 = arith.constant 11.3137083 : f32
        %mul3A_277 = vector.broadcast %mul3A_276 : f32 to vector<16xf32>
        %mul3A_278 = arith.mulf %get3A_275, %mul3A_277 : vector<16xf32>
        %swap3A_279 = arith.index_cast %scan3A_213 : i32 to index
        %swap3A_280 = arith.constant 80 : index
        %swap3A_281 = tpu.vector_load %arg9[%swap3A_279, %swap3A_280] {strides = array<i32>} : memref<128x128xf32, #tpu.memory_space<vmem>>, vector<1x16xf32>,
        %swap3A_282 = vector.shape_cast %swap3A_281 : vector<1x16xf32> to vector<16xf32>
        %swap3A_283 = vector.shape_cast %mul3A_278 : vector<16xf32> to vector<1x16xf32>
        tpu.vector_store %arg9[%swap3A_279, %swap3A_280], %swap3A_283 {strides = array<i32>} : memref<128x128xf32, #tpu.memory_space<vmem>>, vector<1x16xf32>,
        %get3A_284 = arith.index_cast %scan3A_213 : i32 to index
        %get3A_285 = arith.constant 96 : index
        %get3A_286 = tpu.vector_load %arg9[%get3A_284, %get3A_285] {strides = array<i32>} : memref<128x128xf32, #tpu.memory_space<vmem>>, vector<1x16xf32>,
        %get3A_287 = vector.shape_cast %get3A_286 : vector<1x16xf32> to vector<16xf32>
        %mul3A_288 = arith.constant 11.3137083 : f32
        %mul3A_289 = vector.broadcast %mul3A_288 : f32 to vector<16xf32>
        %mul3A_290 = arith.mulf %get3A_287, %mul3A_289 : vector<16xf32>
        %swap3A_291 = arith.index_cast %scan3A_213 : i32 to index
        %swap3A_292 = arith.constant 96 : index
        %swap3A_293 = tpu.vector_load %arg9[%swap3A_291, %swap3A_292] {strides = array<i32>} : memref<128x128xf32, #tpu.memory_space<vmem>>, vector<1x16xf32>,
        %swap3A_294 = vector.shape_cast %swap3A_293 : vector<1x16xf32> to vector<16xf32>
        %swap3A_295 = vector.shape_cast %mul3A_290 : vector<16xf32> to vector<1x16xf32>
        tpu.vector_store %arg9[%swap3A_291, %swap3A_292], %swap3A_295 {strides = array<i32>} : memref<128x128xf32, #tpu.memory_space<vmem>>, vector<1x16xf32>,
        %get3A_296 = arith.index_cast %scan3A_213 : i32 to index
        %get3A_297 = arith.constant 112 : index
        %get3A_298 = tpu.vector_load %arg9[%get3A_296, %get3A_297] {strides = array<i32>} : memref<128x128xf32, #tpu.memory_space<vmem>>, vector<1x16xf32>,
        %get3A_299 = vector.shape_cast %get3A_298 : vector<1x16xf32> to vector<16xf32>
        %mul3A_300 = arith.constant 11.3137083 : f32
        %mul3A_301 = vector.broadcast %mul3A_300 : f32 to vector<16xf32>
        %mul3A_302 = arith.mulf %get3A_299, %mul3A_301 : vector<16xf32>
        %swap3A_303 = arith.index_cast %scan3A_213 : i32 to index
        %swap3A_304 = arith.constant 112 : index
        %swap3A_305 = tpu.vector_load %arg9[%swap3A_303, %swap3A_304] {strides = array<i32>} : memref<128x128xf32, #tpu.memory_space<vmem>>, vector<1x16xf32>,
        %swap3A_306 = vector.shape_cast %swap3A_305 : vector<1x16xf32> to vector<16xf32>
        %swap3A_307 = vector.shape_cast %mul3A_302 : vector<16xf32> to vector<1x16xf32>
        tpu.vector_store %arg9[%swap3A_303, %swap3A_304], %swap3A_307 {strides = array<i32>} : memref<128x128xf32, #tpu.memory_space<vmem>>, vector<1x16xf32>,
        %scan3A_308 = arith.constant 1 : i32
        %scan3A_309 = arith.addi %scan3A_213, %scan3A_308 : i32
        %get3A_310 = arith.index_cast %scan3A_309 : i32 to index
        %get3A_311 = arith.constant 0 : index
        %get3A_312 = tpu.vector_load %arg9[%get3A_310, %get3A_311] {strides = array<i32>} : memref<128x128xf32, #tpu.memory_space<vmem>>, vector<1x16xf32>,
        %get3A_313 = vector.shape_cast %get3A_312 : vector<1x16xf32> to vector<16xf32>
        %mul3A_314 = arith.constant 11.3137083 : f32
        %mul3A_315 = vector.broadcast %mul3A_314 : f32 to vector<16xf32>
        %mul3A_316 = arith.mulf %get3A_313, %mul3A_315 : vector<16xf32>
        %swap3A_317 = arith.index_cast %scan3A_309 : i32 to index
        %swap3A_318 = arith.constant 0 : index
        %swap3A_319 = tpu.vector_load %arg9[%swap3A_317, %swap3A_318] {strides = array<i32>} : memref<128x128xf32, #tpu.memory_space<vmem>>, vector<1x16xf32>,
        %swap3A_320 = vector.shape_cast %swap3A_319 : vector<1x16xf32> to vector<16xf32>
        %swap3A_321 = vector.shape_cast %mul3A_316 : vector<16xf32> to vector<1x16xf32>
        tpu.vector_store %arg9[%swap3A_317, %swap3A_318], %swap3A_321 {strides = array<i32>} : memref<128x128xf32, #tpu.memory_space<vmem>>, vector<1x16xf32>,
        %get3A_322 = arith.index_cast %scan3A_309 : i32 to index
        %get3A_323 = arith.constant 16 : index
        %get3A_324 = tpu.vector_load %arg9[%get3A_322, %get3A_323] {strides = array<i32>} : memref<128x128xf32, #tpu.memory_space<vmem>>, vector<1x16xf32>,
        %get3A_325 = vector.shape_cast %get3A_324 : vector<1x16xf32> to vector<16xf32>
        %mul3A_326 = arith.constant 11.3137083 : f32
        %mul3A_327 = vector.broadcast %mul3A_326 : f32 to vector<16xf32>
        %mul3A_328 = arith.mulf %get3A_325, %mul3A_327 : vector<16xf32>
        %swap3A_329 = arith.index_cast %scan3A_309 : i32 to index
        %swap3A_330 = arith.constant 16 : index
        %swap3A_331 = tpu.vector_load %arg9[%swap3A_329, %swap3A_330] {strides = array<i32>} : memref<128x128xf32, #tpu.memory_space<vmem>>, vector<1x16xf32>,
        %swap3A_332 = vector.shape_cast %swap3A_331 : vector<1x16xf32> to vector<16xf32>
        %swap3A_333 = vector.shape_cast %mul3A_328 : vector<16xf32> to vector<1x16xf32>
        tpu.vector_store %arg9[%swap3A_329, %swap3A_330], %swap3A_333 {strides = array<i32>} : memref<128x128xf32, #tpu.memory_space<vmem>>, vector<1x16xf32>,
        %get3A_334 = arith.index_cast %scan3A_309 : i32 to index
        %get3A_335 = arith.constant 32 : index
        %get3A_336 = tpu.vector_load %arg9[%get3A_334, %get3A_335] {strides = array<i32>} : memref<128x128xf32, #tpu.memory_space<vmem>>, vector<1x16xf32>,
        %get3A_337 = vector.shape_cast %get3A_336 : vector<1x16xf32> to vector<16xf32>
        %mul3A_338 = arith.constant 11.3137083 : f32
        %mul3A_339 = vector.broadcast %mul3A_338 : f32 to vector<16xf32>
        %mul3A_340 = arith.mulf %get3A_337, %mul3A_339 : vector<16xf32>
        %swap3A_341 = arith.index_cast %scan3A_309 : i32 to index
        %swap3A_342 = arith.constant 32 : index
        %swap3A_343 = tpu.vector_load %arg9[%swap3A_341, %swap3A_342] {strides = array<i32>} : memref<128x128xf32, #tpu.memory_space<vmem>>, vector<1x16xf32>,
        %swap3A_344 = vector.shape_cast %swap3A_343 : vector<1x16xf32> to vector<16xf32>
        %swap3A_345 = vector.shape_cast %mul3A_340 : vector<16xf32> to vector<1x16xf32>
        tpu.vector_store %arg9[%swap3A_341, %swap3A_342], %swap3A_345 {strides = array<i32>} : memref<128x128xf32, #tpu.memory_space<vmem>>, vector<1x16xf32>,
        %get3A_346 = arith.index_cast %scan3A_309 : i32 to index
        %get3A_347 = arith.constant 48 : index
        %get3A_348 = tpu.vector_load %arg9[%get3A_346, %get3A_347] {strides = array<i32>} : memref<128x128xf32, #tpu.memory_space<vmem>>, vector<1x16xf32>,
        %get3A_349 = vector.shape_cast %get3A_348 : vector<1x16xf32> to vector<16xf32>
        %mul3A_350 = arith.constant 11.3137083 : f32
        %mul3A_351 = vector.broadcast %mul3A_350 : f32 to vector<16xf32>
        %mul3A_352 = arith.mulf %get3A_349, %mul3A_351 : vector<16xf32>
        %swap3A_353 = arith.index_cast %scan3A_309 : i32 to index
        %swap3A_354 = arith.constant 48 : index
        %swap3A_355 = tpu.vector_load %arg9[%swap3A_353, %swap3A_354] {strides = array<i32>} : memref<128x128xf32, #tpu.memory_space<vmem>>, vector<1x16xf32>,
        %swap3A_356 = vector.shape_cast %swap3A_355 : vector<1x16xf32> to vector<16xf32>
        %swap3A_357 = vector.shape_cast %mul3A_352 : vector<16xf32> to vector<1x16xf32>
        tpu.vector_store %arg9[%swap3A_353, %swap3A_354], %swap3A_357 {strides = array<i32>} : memref<128x128xf32, #tpu.memory_space<vmem>>, vector<1x16xf32>,
        %get3A_358 = arith.index_cast %scan3A_309 : i32 to index
        %get3A_359 = arith.constant 64 : index
        %get3A_360 = tpu.vector_load %arg9[%get3A_358, %get3A_359] {strides = array<i32>} : memref<128x128xf32, #tpu.memory_space<vmem>>, vector<1x16xf32>,
        %get3A_361 = vector.shape_cast %get3A_360 : vector<1x16xf32> to vector<16xf32>
        %mul3A_362 = arith.constant 11.3137083 : f32
        %mul3A_363 = vector.broadcast %mul3A_362 : f32 to vector<16xf32>
        %mul3A_364 = arith.mulf %get3A_361, %mul3A_363 : vector<16xf32>
        %swap3A_365 = arith.index_cast %scan3A_309 : i32 to index
        %swap3A_366 = arith.constant 64 : index
        %swap3A_367 = tpu.vector_load %arg9[%swap3A_365, %swap3A_366] {strides = array<i32>} : memref<128x128xf32, #tpu.memory_space<vmem>>, vector<1x16xf32>,
        %swap3A_368 = vector.shape_cast %swap3A_367 : vector<1x16xf32> to vector<16xf32>
        %swap3A_369 = vector.shape_cast %mul3A_364 : vector<16xf32> to vector<1x16xf32>
        tpu.vector_store %arg9[%swap3A_365, %swap3A_366], %swap3A_369 {strides = array<i32>} : memref<128x128xf32, #tpu.memory_space<vmem>>, vector<1x16xf32>,
        %get3A_370 = arith.index_cast %scan3A_309 : i32 to index
        %get3A_371 = arith.constant 80 : index
        %get3A_372 = tpu.vector_load %arg9[%get3A_370, %get3A_371] {strides = array<i32>} : memref<128x128xf32, #tpu.memory_space<vmem>>, vector<1x16xf32>,
        %get3A_373 = vector.shape_cast %get3A_372 : vector<1x16xf32> to vector<16xf32>
        %mul3A_374 = arith.constant 11.3137083 : f32
        %mul3A_375 = vector.broadcast %mul3A_374 : f32 to vector<16xf32>
        %mul3A_376 = arith.mulf %get3A_373, %mul3A_375 : vector<16xf32>
        %swap3A_377 = arith.index_cast %scan3A_309 : i32 to index
        %swap3A_378 = arith.constant 80 : index
        %swap3A_379 = tpu.vector_load %arg9[%swap3A_377, %swap3A_378] {strides = array<i32>} : memref<128x128xf32, #tpu.memory_space<vmem>>, vector<1x16xf32>,
        %swap3A_380 = vector.shape_cast %swap3A_379 : vector<1x16xf32> to vector<16xf32>
        %swap3A_381 = vector.shape_cast %mul3A_376 : vector<16xf32> to vector<1x16xf32>
        tpu.vector_store %arg9[%swap3A_377, %swap3A_378], %swap3A_381 {strides = array<i32>} : memref<128x128xf32, #tpu.memory_space<vmem>>, vector<1x16xf32>,
        %get3A_382 = arith.index_cast %scan3A_309 : i32 to index
        %get3A_383 = arith.constant 96 : index
        %get3A_384 = tpu.vector_load %arg9[%get3A_382, %get3A_383] {strides = array<i32>} : memref<128x128xf32, #tpu.memory_space<vmem>>, vector<1x16xf32>,
        %get3A_385 = vector.shape_cast %get3A_384 : vector<1x16xf32> to vector<16xf32>
        %mul3A_386 = arith.constant 11.3137083 : f32
        %mul3A_387 = vector.broadcast %mul3A_386 : f32 to vector<16xf32>
        %mul3A_388 = arith.mulf %get3A_385, %mul3A_387 : vector<16xf32>
        %swap3A_389 = arith.index_cast %scan3A_309 : i32 to index
        %swap3A_390 = arith.constant 96 : index
        %swap3A_391 = tpu.vector_load %arg9[%swap3A_389, %swap3A_390] {strides = array<i32>} : memref<128x128xf32, #tpu.memory_space<vmem>>, vector<1x16xf32>,
        %swap3A_392 = vector.shape_cast %swap3A_391 : vector<1x16xf32> to vector<16xf32>
        %swap3A_393 = vector.shape_cast %mul3A_388 : vector<16xf32> to vector<1x16xf32>
        tpu.vector_store %arg9[%swap3A_389, %swap3A_390], %swap3A_393 {strides = array<i32>} : memref<128x128xf32, #tpu.memory_space<vmem>>, vector<1x16xf32>,
        %get3A_394 = arith.index_cast %scan3A_309 : i32 to index
        %get3A_395 = arith.constant 112 : index
        %get3A_396 = tpu.vector_load %arg9[%get3A_394, %get3A_395] {strides = array<i32>} : memref<128x128xf32, #tpu.memory_space<vmem>>, vector<1x16xf32>,
        %get3A_397 = vector.shape_cast %get3A_396 : vector<1x16xf32> to vector<16xf32>
        %mul3A_398 = arith.constant 11.3137083 : f32
        %mul3A_399 = vector.broadcast %mul3A_398 : f32 to vector<16xf32>
        %mul3A_400 = arith.mulf %get3A_397, %mul3A_399 : vector<16xf32>
        %swap3A_401 = arith.index_cast %scan3A_309 : i32 to index
        %swap3A_402 = arith.constant 112 : index
        %swap3A_403 = tpu.vector_load %arg9[%swap3A_401, %swap3A_402] {strides = array<i32>} : memref<128x128xf32, #tpu.memory_space<vmem>>, vector<1x16xf32>,
        %swap3A_404 = vector.shape_cast %swap3A_403 : vector<1x16xf32> to vector<16xf32>
        %swap3A_405 = vector.shape_cast %mul3A_400 : vector<16xf32> to vector<1x16xf32>
        tpu.vector_store %arg9[%swap3A_401, %swap3A_402], %swap3A_405 {strides = array<i32>} : memref<128x128xf32, #tpu.memory_space<vmem>>, vector<1x16xf32>,
      }
      %scan3A_173 = arith.constant 128 : i32
      %mul3A_174 = arith.constant 128 : i32
      %mul3A_175 = arith.muli %add3A_152, %mul3A_174 : i32
      %add3A_176 = arith.addi %mul3A_2, %mul3A_175 : i32
      %dma_start3A_177 = arith.constant 0 : i32
      %dma_start3A_178 = tpu.memref_slice %arg4[%add3A_176, %dma_start3A_177] : memref<204800x128xf32, #tpu.memory_space<hbm>> -> memref<128x128xf32, #tpu.memory_space<hbm>>
      %dma_start3A_179 = arith.constant 0 : i32
      %dma_start3A_180 = tpu.memref_slice %arg4[%add3A_176, %dma_start3A_179] : memref<204800x128xf32, #tpu.memory_space<hbm>> -> memref<128x128xf32, #tpu.memory_space<hbm>>
      tpu.enqueue_dma source(%arg9 : memref<128x128xf32, #tpu.memory_space<vmem>>) target(%dma_start3A_180 : memref<128x128xf32, #tpu.memory_space<hbm>>) target_semaphore(%arg12 : memref<!tpu.dma_semaphore, #tpu.memory_space<semaphore_mem>>)
      %mul3A_181 = arith.constant 5 : i32
      %mul3A_182 = arith.muli %scan3A_56, %mul3A_181 : i32
      %add3A_183 = arith.constant 4 : i32
      %add3A_184 = arith.addi %mul3A_182, %add3A_183 : i32
      %mul3A_185 = arith.constant 128 : i32
      %mul3A_186 = arith.muli %add3A_184, %mul3A_185 : i32
      %dma_wait3A_187 = tpu.memref_slice %arg5[%mul3A_186] : memref<6400xi32, #tpu.memory_space<vmem>> -> memref<128xi32, #tpu.memory_space<vmem>>
      %dma_wait3A_188 = arith.constant 0 : i32
      %dma_wait3A_189 = arith.constant 0 : i32
      %dma_wait3A_190 = tpu.memref_slice %arg3[%dma_wait3A_188, %dma_wait3A_189] : memref<100000x128xf32, #tpu.memory_space<hbm>> -> memref<100000x128xf32, #tpu.memory_space<hbm>>
      tpu.wait_indirect_dma semaphore(%arg11 : memref<!tpu.dma_semaphore, #tpu.memory_space<semaphore_mem>>) src(%dma_wait3A_190 : memref<100000x128xf32, #tpu.memory_space<hbm>>) dst(%arg10 : memref<128x128xf32, #tpu.memory_space<vmem>>)
      %add3A_191 = arith.constant 5 : i32
      %add3A_192 = arith.addi %add3A_184, %add3A_191 : i32
      %sub3A_193 = arith.constant 1 : i32
      %sub3A_194 = arith.subi %add3A_192, %sub3A_193 : i32
      %lt3A_195 = arith.constant 50 : i32
      %lt3A_196 = arith.cmpi slt, %sub3A_194, %lt3A_195 : i32
      %convert_element_type3A_197 = arith.extui %lt3A_196 : i1 to i32
      %cond3A_198 = arith.constant 0 : i32
      %cond3A_199 = arith.cmpi ne, %convert_element_type3A_197, %cond3A_198 : i32
      scf.if %cond3A_199 {
        %ge3A = arith.constant 5 : i32
        %ge3A_213 = arith.cmpi sge, %sub3A_194, %ge3A : i32
        %convert_element_type3A_214 = arith.extui %ge3A_213 : i1 to i32
        %cond3A_215 = arith.constant 0 : i32
        %cond3A_216 = arith.cmpi ne, %convert_element_type3A_214, %cond3A_215 : i32
        scf.if %cond3A_216 {
          %sub3A_223 = arith.constant 5 : i32
          %sub3A_224 = arith.subi %sub3A_194, %sub3A_223 : i32
          %mul3A_225 = arith.constant 128 : i32
          %mul3A_226 = arith.muli %sub3A_224, %mul3A_225 : i32
          %add3A_227 = arith.addi %mul3A_2, %mul3A_226 : i32
          %dma_wait3A_228 = arith.constant 0 : i32
          %dma_wait3A_229 = tpu.memref_slice %arg4[%add3A_227, %dma_wait3A_228] : memref<204800x128xf32, #tpu.memory_space<hbm>> -> memref<128x128xf32, #tpu.memory_space<hbm>>
          %dma_wait3A_230 = arith.constant 0 : i32
          %dma_wait3A_231 = tpu.memref_slice %arg4[%add3A_227, %dma_wait3A_230] : memref<204800x128xf32, #tpu.memory_space<hbm>> -> memref<128x128xf32, #tpu.memory_space<hbm>>
          tpu.wait_dma2 semaphore(%arg12 : memref<!tpu.dma_semaphore, #tpu.memory_space<semaphore_mem>>) src(%arg9 : memref<128x128xf32, #tpu.memory_space<vmem>>) dst(%dma_wait3A_231 : memref<128x128xf32, #tpu.memory_space<hbm>>)
        } else {
        }
        %mul3A_217 = arith.constant 128 : i32
        %mul3A_218 = arith.muli %sub3A_194, %mul3A_217 : i32
        %dma_start3A_219 = tpu.memref_slice %arg5[%mul3A_218] : memref<6400xi32, #tpu.memory_space<vmem>> -> memref<128xi32, #tpu.memory_space<vmem>>
        %dma_start3A_220 = arith.constant 0 : i32
        %dma_start3A_221 = arith.constant 0 : i32
        %dma_start3A_222 = tpu.memref_slice %arg3[%dma_start3A_220, %dma_start3A_221] : memref<100000x128xf32, #tpu.memory_space<hbm>> -> memref<100000x128xf32, #tpu.memory_space<hbm>>
        tpu.enqueue_indirect_dma source(%dma_start3A_222 : memref<100000x128xf32, #tpu.memory_space<hbm>>) target(%arg9 : memref<128x128xf32, #tpu.memory_space<vmem>>) offsets(%dma_start3A_219 : memref<128xi32, #tpu.memory_space<vmem>>) semaphore(%arg11 : memref<!tpu.dma_semaphore, #tpu.memory_space<semaphore_mem>>)
      } else {
      }
      %scan3A_200 = arith.constant 0 : i32
      %scan3A_201 = arith.constant 0 : i32
      %scan3A_202 = arith.constant 128 : i32
      %scan3A_203 = arith.addi %scan3A_201, %scan3A_202 : i32
      %scan3A_204 = arith.constant 2 : i32
      scf.for %scan3A_213 = %scan3A_201 to %scan3A_203 step %scan3A_204  : i32 {
        %get3A = arith.index_cast %scan3A_213 : i32 to index
        %get3A_214 = arith.constant 0 : index
        %get3A_215 = tpu.vector_load %arg10[%get3A, %get3A_214] {strides = array<i32>} : memref<128x128xf32, #tpu.memory_space<vmem>>, vector<1x16xf32>,
        %get3A_216 = vector.shape_cast %get3A_215 : vector<1x16xf32> to vector<16xf32>
        %mul3A_217 = arith.constant 11.3137083 : f32
        %mul3A_218 = vector.broadcast %mul3A_217 : f32 to vector<16xf32>
        %mul3A_219 = arith.mulf %get3A_216, %mul3A_218 : vector<16xf32>
        %swap3A = arith.index_cast %scan3A_213 : i32 to index
        %swap3A_220 = arith.constant 0 : index
        %swap3A_221 = tpu.vector_load %arg10[%swap3A, %swap3A_220] {strides = array<i32>} : memref<128x128xf32, #tpu.memory_space<vmem>>, vector<1x16xf32>,
        %swap3A_222 = vector.shape_cast %swap3A_221 : vector<1x16xf32> to vector<16xf32>
        %swap3A_223 = vector.shape_cast %mul3A_219 : vector<16xf32> to vector<1x16xf32>
        tpu.vector_store %arg10[%swap3A, %swap3A_220], %swap3A_223 {strides = array<i32>} : memref<128x128xf32, #tpu.memory_space<vmem>>, vector<1x16xf32>,
        %get3A_224 = arith.index_cast %scan3A_213 : i32 to index
        %get3A_225 = arith.constant 16 : index
        %get3A_226 = tpu.vector_load %arg10[%get3A_224, %get3A_225] {strides = array<i32>} : memref<128x128xf32, #tpu.memory_space<vmem>>, vector<1x16xf32>,
        %get3A_227 = vector.shape_cast %get3A_226 : vector<1x16xf32> to vector<16xf32>
        %mul3A_228 = arith.constant 11.3137083 : f32
        %mul3A_229 = vector.broadcast %mul3A_228 : f32 to vector<16xf32>
        %mul3A_230 = arith.mulf %get3A_227, %mul3A_229 : vector<16xf32>
        %swap3A_231 = arith.index_cast %scan3A_213 : i32 to index
        %swap3A_232 = arith.constant 16 : index
        %swap3A_233 = tpu.vector_load %arg10[%swap3A_231, %swap3A_232] {strides = array<i32>} : memref<128x128xf32, #tpu.memory_space<vmem>>, vector<1x16xf32>,
        %swap3A_234 = vector.shape_cast %swap3A_233 : vector<1x16xf32> to vector<16xf32>
        %swap3A_235 = vector.shape_cast %mul3A_230 : vector<16xf32> to vector<1x16xf32>
        tpu.vector_store %arg10[%swap3A_231, %swap3A_232], %swap3A_235 {strides = array<i32>} : memref<128x128xf32, #tpu.memory_space<vmem>>, vector<1x16xf32>,
        %get3A_236 = arith.index_cast %scan3A_213 : i32 to index
        %get3A_237 = arith.constant 32 : index
        %get3A_238 = tpu.vector_load %arg10[%get3A_236, %get3A_237] {strides = array<i32>} : memref<128x128xf32, #tpu.memory_space<vmem>>, vector<1x16xf32>,
        %get3A_239 = vector.shape_cast %get3A_238 : vector<1x16xf32> to vector<16xf32>
        %mul3A_240 = arith.constant 11.3137083 : f32
        %mul3A_241 = vector.broadcast %mul3A_240 : f32 to vector<16xf32>
        %mul3A_242 = arith.mulf %get3A_239, %mul3A_241 : vector<16xf32>
        %swap3A_243 = arith.index_cast %scan3A_213 : i32 to index
        %swap3A_244 = arith.constant 32 : index
        %swap3A_245 = tpu.vector_load %arg10[%swap3A_243, %swap3A_244] {strides = array<i32>} : memref<128x128xf32, #tpu.memory_space<vmem>>, vector<1x16xf32>,
        %swap3A_246 = vector.shape_cast %swap3A_245 : vector<1x16xf32> to vector<16xf32>
        %swap3A_247 = vector.shape_cast %mul3A_242 : vector<16xf32> to vector<1x16xf32>
        tpu.vector_store %arg10[%swap3A_243, %swap3A_244], %swap3A_247 {strides = array<i32>} : memref<128x128xf32, #tpu.memory_space<vmem>>, vector<1x16xf32>,
        %get3A_248 = arith.index_cast %scan3A_213 : i32 to index
        %get3A_249 = arith.constant 48 : index
        %get3A_250 = tpu.vector_load %arg10[%get3A_248, %get3A_249] {strides = array<i32>} : memref<128x128xf32, #tpu.memory_space<vmem>>, vector<1x16xf32>,
        %get3A_251 = vector.shape_cast %get3A_250 : vector<1x16xf32> to vector<16xf32>
        %mul3A_252 = arith.constant 11.3137083 : f32
        %mul3A_253 = vector.broadcast %mul3A_252 : f32 to vector<16xf32>
        %mul3A_254 = arith.mulf %get3A_251, %mul3A_253 : vector<16xf32>
        %swap3A_255 = arith.index_cast %scan3A_213 : i32 to index
        %swap3A_256 = arith.constant 48 : index
        %swap3A_257 = tpu.vector_load %arg10[%swap3A_255, %swap3A_256] {strides = array<i32>} : memref<128x128xf32, #tpu.memory_space<vmem>>, vector<1x16xf32>,
        %swap3A_258 = vector.shape_cast %swap3A_257 : vector<1x16xf32> to vector<16xf32>
        %swap3A_259 = vector.shape_cast %mul3A_254 : vector<16xf32> to vector<1x16xf32>
        tpu.vector_store %arg10[%swap3A_255, %swap3A_256], %swap3A_259 {strides = array<i32>} : memref<128x128xf32, #tpu.memory_space<vmem>>, vector<1x16xf32>,
        %get3A_260 = arith.index_cast %scan3A_213 : i32 to index
        %get3A_261 = arith.constant 64 : index
        %get3A_262 = tpu.vector_load %arg10[%get3A_260, %get3A_261] {strides = array<i32>} : memref<128x128xf32, #tpu.memory_space<vmem>>, vector<1x16xf32>,
        %get3A_263 = vector.shape_cast %get3A_262 : vector<1x16xf32> to vector<16xf32>
        %mul3A_264 = arith.constant 11.3137083 : f32
        %mul3A_265 = vector.broadcast %mul3A_264 : f32 to vector<16xf32>
        %mul3A_266 = arith.mulf %get3A_263, %mul3A_265 : vector<16xf32>
        %swap3A_267 = arith.index_cast %scan3A_213 : i32 to index
        %swap3A_268 = arith.constant 64 : index
        %swap3A_269 = tpu.vector_load %arg10[%swap3A_267, %swap3A_268] {strides = array<i32>} : memref<128x128xf32, #tpu.memory_space<vmem>>, vector<1x16xf32>,
        %swap3A_270 = vector.shape_cast %swap3A_269 : vector<1x16xf32> to vector<16xf32>
        %swap3A_271 = vector.shape_cast %mul3A_266 : vector<16xf32> to vector<1x16xf32>
        tpu.vector_store %arg10[%swap3A_267, %swap3A_268], %swap3A_271 {strides = array<i32>} : memref<128x128xf32, #tpu.memory_space<vmem>>, vector<1x16xf32>,
        %get3A_272 = arith.index_cast %scan3A_213 : i32 to index
        %get3A_273 = arith.constant 80 : index
        %get3A_274 = tpu.vector_load %arg10[%get3A_272, %get3A_273] {strides = array<i32>} : memref<128x128xf32, #tpu.memory_space<vmem>>, vector<1x16xf32>,
        %get3A_275 = vector.shape_cast %get3A_274 : vector<1x16xf32> to vector<16xf32>
        %mul3A_276 = arith.constant 11.3137083 : f32
        %mul3A_277 = vector.broadcast %mul3A_276 : f32 to vector<16xf32>
        %mul3A_278 = arith.mulf %get3A_275, %mul3A_277 : vector<16xf32>
        %swap3A_279 = arith.index_cast %scan3A_213 : i32 to index
        %swap3A_280 = arith.constant 80 : index
        %swap3A_281 = tpu.vector_load %arg10[%swap3A_279, %swap3A_280] {strides = array<i32>} : memref<128x128xf32, #tpu.memory_space<vmem>>, vector<1x16xf32>,
        %swap3A_282 = vector.shape_cast %swap3A_281 : vector<1x16xf32> to vector<16xf32>
        %swap3A_283 = vector.shape_cast %mul3A_278 : vector<16xf32> to vector<1x16xf32>
        tpu.vector_store %arg10[%swap3A_279, %swap3A_280], %swap3A_283 {strides = array<i32>} : memref<128x128xf32, #tpu.memory_space<vmem>>, vector<1x16xf32>,
        %get3A_284 = arith.index_cast %scan3A_213 : i32 to index
        %get3A_285 = arith.constant 96 : index
        %get3A_286 = tpu.vector_load %arg10[%get3A_284, %get3A_285] {strides = array<i32>} : memref<128x128xf32, #tpu.memory_space<vmem>>, vector<1x16xf32>,
        %get3A_287 = vector.shape_cast %get3A_286 : vector<1x16xf32> to vector<16xf32>
        %mul3A_288 = arith.constant 11.3137083 : f32
        %mul3A_289 = vector.broadcast %mul3A_288 : f32 to vector<16xf32>
        %mul3A_290 = arith.mulf %get3A_287, %mul3A_289 : vector<16xf32>
        %swap3A_291 = arith.index_cast %scan3A_213 : i32 to index
        %swap3A_292 = arith.constant 96 : index
        %swap3A_293 = tpu.vector_load %arg10[%swap3A_291, %swap3A_292] {strides = array<i32>} : memref<128x128xf32, #tpu.memory_space<vmem>>, vector<1x16xf32>,
        %swap3A_294 = vector.shape_cast %swap3A_293 : vector<1x16xf32> to vector<16xf32>
        %swap3A_295 = vector.shape_cast %mul3A_290 : vector<16xf32> to vector<1x16xf32>
        tpu.vector_store %arg10[%swap3A_291, %swap3A_292], %swap3A_295 {strides = array<i32>} : memref<128x128xf32, #tpu.memory_space<vmem>>, vector<1x16xf32>,
        %get3A_296 = arith.index_cast %scan3A_213 : i32 to index
        %get3A_297 = arith.constant 112 : index
        %get3A_298 = tpu.vector_load %arg10[%get3A_296, %get3A_297] {strides = array<i32>} : memref<128x128xf32, #tpu.memory_space<vmem>>, vector<1x16xf32>,
        %get3A_299 = vector.shape_cast %get3A_298 : vector<1x16xf32> to vector<16xf32>
        %mul3A_300 = arith.constant 11.3137083 : f32
        %mul3A_301 = vector.broadcast %mul3A_300 : f32 to vector<16xf32>
        %mul3A_302 = arith.mulf %get3A_299, %mul3A_301 : vector<16xf32>
        %swap3A_303 = arith.index_cast %scan3A_213 : i32 to index
        %swap3A_304 = arith.constant 112 : index
        %swap3A_305 = tpu.vector_load %arg10[%swap3A_303, %swap3A_304] {strides = array<i32>} : memref<128x128xf32, #tpu.memory_space<vmem>>, vector<1x16xf32>,
        %swap3A_306 = vector.shape_cast %swap3A_305 : vector<1x16xf32> to vector<16xf32>
        %swap3A_307 = vector.shape_cast %mul3A_302 : vector<16xf32> to vector<1x16xf32>
        tpu.vector_store %arg10[%swap3A_303, %swap3A_304], %swap3A_307 {strides = array<i32>} : memref<128x128xf32, #tpu.memory_space<vmem>>, vector<1x16xf32>,
        %scan3A_308 = arith.constant 1 : i32
        %scan3A_309 = arith.addi %scan3A_213, %scan3A_308 : i32
        %get3A_310 = arith.index_cast %scan3A_309 : i32 to index
        %get3A_311 = arith.constant 0 : index
        %get3A_312 = tpu.vector_load %arg10[%get3A_310, %get3A_311] {strides = array<i32>} : memref<128x128xf32, #tpu.memory_space<vmem>>, vector<1x16xf32>,
        %get3A_313 = vector.shape_cast %get3A_312 : vector<1x16xf32> to vector<16xf32>
        %mul3A_314 = arith.constant 11.3137083 : f32
        %mul3A_315 = vector.broadcast %mul3A_314 : f32 to vector<16xf32>
        %mul3A_316 = arith.mulf %get3A_313, %mul3A_315 : vector<16xf32>
        %swap3A_317 = arith.index_cast %scan3A_309 : i32 to index
        %swap3A_318 = arith.constant 0 : index
        %swap3A_319 = tpu.vector_load %arg10[%swap3A_317, %swap3A_318] {strides = array<i32>} : memref<128x128xf32, #tpu.memory_space<vmem>>, vector<1x16xf32>,
        %swap3A_320 = vector.shape_cast %swap3A_319 : vector<1x16xf32> to vector<16xf32>
        %swap3A_321 = vector.shape_cast %mul3A_316 : vector<16xf32> to vector<1x16xf32>
        tpu.vector_store %arg10[%swap3A_317, %swap3A_318], %swap3A_321 {strides = array<i32>} : memref<128x128xf32, #tpu.memory_space<vmem>>, vector<1x16xf32>,
        %get3A_322 = arith.index_cast %scan3A_309 : i32 to index
        %get3A_323 = arith.constant 16 : index
        %get3A_324 = tpu.vector_load %arg10[%get3A_322, %get3A_323] {strides = array<i32>} : memref<128x128xf32, #tpu.memory_space<vmem>>, vector<1x16xf32>,
        %get3A_325 = vector.shape_cast %get3A_324 : vector<1x16xf32> to vector<16xf32>
        %mul3A_326 = arith.constant 11.3137083 : f32
        %mul3A_327 = vector.broadcast %mul3A_326 : f32 to vector<16xf32>
        %mul3A_328 = arith.mulf %get3A_325, %mul3A_327 : vector<16xf32>
        %swap3A_329 = arith.index_cast %scan3A_309 : i32 to index
        %swap3A_330 = arith.constant 16 : index
        %swap3A_331 = tpu.vector_load %arg10[%swap3A_329, %swap3A_330] {strides = array<i32>} : memref<128x128xf32, #tpu.memory_space<vmem>>, vector<1x16xf32>,
        %swap3A_332 = vector.shape_cast %swap3A_331 : vector<1x16xf32> to vector<16xf32>
        %swap3A_333 = vector.shape_cast %mul3A_328 : vector<16xf32> to vector<1x16xf32>
        tpu.vector_store %arg10[%swap3A_329, %swap3A_330], %swap3A_333 {strides = array<i32>} : memref<128x128xf32, #tpu.memory_space<vmem>>, vector<1x16xf32>,
        %get3A_334 = arith.index_cast %scan3A_309 : i32 to index
        %get3A_335 = arith.constant 32 : index
        %get3A_336 = tpu.vector_load %arg10[%get3A_334, %get3A_335] {strides = array<i32>} : memref<128x128xf32, #tpu.memory_space<vmem>>, vector<1x16xf32>,
        %get3A_337 = vector.shape_cast %get3A_336 : vector<1x16xf32> to vector<16xf32>
        %mul3A_338 = arith.constant 11.3137083 : f32
        %mul3A_339 = vector.broadcast %mul3A_338 : f32 to vector<16xf32>
        %mul3A_340 = arith.mulf %get3A_337, %mul3A_339 : vector<16xf32>
        %swap3A_341 = arith.index_cast %scan3A_309 : i32 to index
        %swap3A_342 = arith.constant 32 : index
        %swap3A_343 = tpu.vector_load %arg10[%swap3A_341, %swap3A_342] {strides = array<i32>} : memref<128x128xf32, #tpu.memory_space<vmem>>, vector<1x16xf32>,
        %swap3A_344 = vector.shape_cast %swap3A_343 : vector<1x16xf32> to vector<16xf32>
        %swap3A_345 = vector.shape_cast %mul3A_340 : vector<16xf32> to vector<1x16xf32>
        tpu.vector_store %arg10[%swap3A_341, %swap3A_342], %swap3A_345 {strides = array<i32>} : memref<128x128xf32, #tpu.memory_space<vmem>>, vector<1x16xf32>,
        %get3A_346 = arith.index_cast %scan3A_309 : i32 to index
        %get3A_347 = arith.constant 48 : index
        %get3A_348 = tpu.vector_load %arg10[%get3A_346, %get3A_347] {strides = array<i32>} : memref<128x128xf32, #tpu.memory_space<vmem>>, vector<1x16xf32>,
        %get3A_349 = vector.shape_cast %get3A_348 : vector<1x16xf32> to vector<16xf32>
        %mul3A_350 = arith.constant 11.3137083 : f32
        %mul3A_351 = vector.broadcast %mul3A_350 : f32 to vector<16xf32>
        %mul3A_352 = arith.mulf %get3A_349, %mul3A_351 : vector<16xf32>
        %swap3A_353 = arith.index_cast %scan3A_309 : i32 to index
        %swap3A_354 = arith.constant 48 : index
        %swap3A_355 = tpu.vector_load %arg10[%swap3A_353, %swap3A_354] {strides = array<i32>} : memref<128x128xf32, #tpu.memory_space<vmem>>, vector<1x16xf32>,
        %swap3A_356 = vector.shape_cast %swap3A_355 : vector<1x16xf32> to vector<16xf32>
        %swap3A_357 = vector.shape_cast %mul3A_352 : vector<16xf32> to vector<1x16xf32>
        tpu.vector_store %arg10[%swap3A_353, %swap3A_354], %swap3A_357 {strides = array<i32>} : memref<128x128xf32, #tpu.memory_space<vmem>>, vector<1x16xf32>,
        %get3A_358 = arith.index_cast %scan3A_309 : i32 to index
        %get3A_359 = arith.constant 64 : index
        %get3A_360 = tpu.vector_load %arg10[%get3A_358, %get3A_359] {strides = array<i32>} : memref<128x128xf32, #tpu.memory_space<vmem>>, vector<1x16xf32>,
        %get3A_361 = vector.shape_cast %get3A_360 : vector<1x16xf32> to vector<16xf32>
        %mul3A_362 = arith.constant 11.3137083 : f32
        %mul3A_363 = vector.broadcast %mul3A_362 : f32 to vector<16xf32>
        %mul3A_364 = arith.mulf %get3A_361, %mul3A_363 : vector<16xf32>
        %swap3A_365 = arith.index_cast %scan3A_309 : i32 to index
        %swap3A_366 = arith.constant 64 : index
        %swap3A_367 = tpu.vector_load %arg10[%swap3A_365, %swap3A_366] {strides = array<i32>} : memref<128x128xf32, #tpu.memory_space<vmem>>, vector<1x16xf32>,
        %swap3A_368 = vector.shape_cast %swap3A_367 : vector<1x16xf32> to vector<16xf32>
        %swap3A_369 = vector.shape_cast %mul3A_364 : vector<16xf32> to vector<1x16xf32>
        tpu.vector_store %arg10[%swap3A_365, %swap3A_366], %swap3A_369 {strides = array<i32>} : memref<128x128xf32, #tpu.memory_space<vmem>>, vector<1x16xf32>,
        %get3A_370 = arith.index_cast %scan3A_309 : i32 to index
        %get3A_371 = arith.constant 80 : index
        %get3A_372 = tpu.vector_load %arg10[%get3A_370, %get3A_371] {strides = array<i32>} : memref<128x128xf32, #tpu.memory_space<vmem>>, vector<1x16xf32>,
        %get3A_373 = vector.shape_cast %get3A_372 : vector<1x16xf32> to vector<16xf32>
        %mul3A_374 = arith.constant 11.3137083 : f32
        %mul3A_375 = vector.broadcast %mul3A_374 : f32 to vector<16xf32>
        %mul3A_376 = arith.mulf %get3A_373, %mul3A_375 : vector<16xf32>
        %swap3A_377 = arith.index_cast %scan3A_309 : i32 to index
        %swap3A_378 = arith.constant 80 : index
        %swap3A_379 = tpu.vector_load %arg10[%swap3A_377, %swap3A_378] {strides = array<i32>} : memref<128x128xf32, #tpu.memory_space<vmem>>, vector<1x16xf32>,
        %swap3A_380 = vector.shape_cast %swap3A_379 : vector<1x16xf32> to vector<16xf32>
        %swap3A_381 = vector.shape_cast %mul3A_376 : vector<16xf32> to vector<1x16xf32>
        tpu.vector_store %arg10[%swap3A_377, %swap3A_378], %swap3A_381 {strides = array<i32>} : memref<128x128xf32, #tpu.memory_space<vmem>>, vector<1x16xf32>,
        %get3A_382 = arith.index_cast %scan3A_309 : i32 to index
        %get3A_383 = arith.constant 96 : index
        %get3A_384 = tpu.vector_load %arg10[%get3A_382, %get3A_383] {strides = array<i32>} : memref<128x128xf32, #tpu.memory_space<vmem>>, vector<1x16xf32>,
        %get3A_385 = vector.shape_cast %get3A_384 : vector<1x16xf32> to vector<16xf32>
        %mul3A_386 = arith.constant 11.3137083 : f32
        %mul3A_387 = vector.broadcast %mul3A_386 : f32 to vector<16xf32>
        %mul3A_388 = arith.mulf %get3A_385, %mul3A_387 : vector<16xf32>
        %swap3A_389 = arith.index_cast %scan3A_309 : i32 to index
        %swap3A_390 = arith.constant 96 : index
        %swap3A_391 = tpu.vector_load %arg10[%swap3A_389, %swap3A_390] {strides = array<i32>} : memref<128x128xf32, #tpu.memory_space<vmem>>, vector<1x16xf32>,
        %swap3A_392 = vector.shape_cast %swap3A_391 : vector<1x16xf32> to vector<16xf32>
        %swap3A_393 = vector.shape_cast %mul3A_388 : vector<16xf32> to vector<1x16xf32>
        tpu.vector_store %arg10[%swap3A_389, %swap3A_390], %swap3A_393 {strides = array<i32>} : memref<128x128xf32, #tpu.memory_space<vmem>>, vector<1x16xf32>,
        %get3A_394 = arith.index_cast %scan3A_309 : i32 to index
        %get3A_395 = arith.constant 112 : index
        %get3A_396 = tpu.vector_load %arg10[%get3A_394, %get3A_395] {strides = array<i32>} : memref<128x128xf32, #tpu.memory_space<vmem>>, vector<1x16xf32>,
        %get3A_397 = vector.shape_cast %get3A_396 : vector<1x16xf32> to vector<16xf32>
        %mul3A_398 = arith.constant 11.3137083 : f32
        %mul3A_399 = vector.broadcast %mul3A_398 : f32 to vector<16xf32>
        %mul3A_400 = arith.mulf %get3A_397, %mul3A_399 : vector<16xf32>
        %swap3A_401 = arith.index_cast %scan3A_309 : i32 to index
        %swap3A_402 = arith.constant 112 : index
        %swap3A_403 = tpu.vector_load %arg10[%swap3A_401, %swap3A_402] {strides = array<i32>} : memref<128x128xf32, #tpu.memory_space<vmem>>, vector<1x16xf32>,
        %swap3A_404 = vector.shape_cast %swap3A_403 : vector<1x16xf32> to vector<16xf32>
        %swap3A_405 = vector.shape_cast %mul3A_400 : vector<16xf32> to vector<1x16xf32>
        tpu.vector_store %arg10[%swap3A_401, %swap3A_402], %swap3A_405 {strides = array<i32>} : memref<128x128xf32, #tpu.memory_space<vmem>>, vector<1x16xf32>,
      }
      %scan3A_205 = arith.constant 128 : i32
      %mul3A_206 = arith.constant 128 : i32
      %mul3A_207 = arith.muli %add3A_184, %mul3A_206 : i32
      %add3A_208 = arith.addi %mul3A_2, %mul3A_207 : i32
      %dma_start3A_209 = arith.constant 0 : i32
      %dma_start3A_210 = tpu.memref_slice %arg4[%add3A_208, %dma_start3A_209] : memref<204800x128xf32, #tpu.memory_space<hbm>> -> memref<128x128xf32, #tpu.memory_space<hbm>>
      %dma_start3A_211 = arith.constant 0 : i32
      %dma_start3A_212 = tpu.memref_slice %arg4[%add3A_208, %dma_start3A_211] : memref<204800x128xf32, #tpu.memory_space<hbm>> -> memref<128x128xf32, #tpu.memory_space<hbm>>
      tpu.enqueue_dma source(%arg10 : memref<128x128xf32, #tpu.memory_space<vmem>>) target(%dma_start3A_212 : memref<128x128xf32, #tpu.memory_space<hbm>>) target_semaphore(%arg12 : memref<!tpu.dma_semaphore, #tpu.memory_space<semaphore_mem>>)
    }
    %scan3A_26 = arith.constant 10 : i32
    %add3A_27 = arith.constant 5760 : i32
    %add3A_28 = arith.addi %mul3A_2, %add3A_27 : i32
    %dma_wait3A = arith.constant 0 : i32
    %dma_wait3A_29 = tpu.memref_slice %arg4[%add3A_28, %dma_wait3A] : memref<204800x128xf32, #tpu.memory_space<hbm>> -> memref<128x128xf32, #tpu.memory_space<hbm>>
    %dma_wait3A_30 = arith.constant 0 : i32
    %dma_wait3A_31 = tpu.memref_slice %arg4[%add3A_28, %dma_wait3A_30] : memref<204800x128xf32, #tpu.memory_space<hbm>> -> memref<128x128xf32, #tpu.memory_space<hbm>>
    tpu.wait_dma2 semaphore(%arg12 : memref<!tpu.dma_semaphore, #tpu.memory_space<semaphore_mem>>) src(%arg6 : memref<128x128xf32, #tpu.memory_space<vmem>>) dst(%dma_wait3A_31 : memref<128x128xf32, #tpu.memory_space<hbm>>)
    %add3A_32 = arith.constant 5888 : i32
    %add3A_33 = arith.addi %mul3A_2, %add3A_32 : i32
    %dma_wait3A_34 = arith.constant 0 : i32
    %dma_wait3A_35 = tpu.memref_slice %arg4[%add3A_33, %dma_wait3A_34] : memref<204800x128xf32, #tpu.memory_space<hbm>> -> memref<128x128xf32, #tpu.memory_space<hbm>>
    %dma_wait3A_36 = arith.constant 0 : i32
    %dma_wait3A_37 = tpu.memref_slice %arg4[%add3A_33, %dma_wait3A_36] : memref<204800x128xf32, #tpu.memory_space<hbm>> -> memref<128x128xf32, #tpu.memory_space<hbm>>
    tpu.wait_dma2 semaphore(%arg12 : memref<!tpu.dma_semaphore, #tpu.memory_space<semaphore_mem>>) src(%arg7 : memref<128x128xf32, #tpu.memory_space<vmem>>) dst(%dma_wait3A_37 : memref<128x128xf32, #tpu.memory_space<hbm>>)
    %add3A_38 = arith.constant 6016 : i32
    %add3A_39 = arith.addi %mul3A_2, %add3A_38 : i32
    %dma_wait3A_40 = arith.constant 0 : i32
    %dma_wait3A_41 = tpu.memref_slice %arg4[%add3A_39, %dma_wait3A_40] : memref<204800x128xf32, #tpu.memory_space<hbm>> -> memref<128x128xf32, #tpu.memory_space<hbm>>
    %dma_wait3A_42 = arith.constant 0 : i32
    %dma_wait3A_43 = tpu.memref_slice %arg4[%add3A_39, %dma_wait3A_42] : memref<204800x128xf32, #tpu.memory_space<hbm>> -> memref<128x128xf32, #tpu.memory_space<hbm>>
    tpu.wait_dma2 semaphore(%arg12 : memref<!tpu.dma_semaphore, #tpu.memory_space<semaphore_mem>>) src(%arg8 : memref<128x128xf32, #tpu.memory_space<vmem>>) dst(%dma_wait3A_43 : memref<128x128xf32, #tpu.memory_space<hbm>>)
    %add3A_44 = arith.constant 6144 : i32
    %add3A_45 = arith.addi %mul3A_2, %add3A_44 : i32
    %dma_wait3A_46 = arith.constant 0 : i32
    %dma_wait3A_47 = tpu.memref_slice %arg4[%add3A_45, %dma_wait3A_46] : memref<204800x128xf32, #tpu.memory_space<hbm>> -> memref<128x128xf32, #tpu.memory_space<hbm>>
    %dma_wait3A_48 = arith.constant 0 : i32
    %dma_wait3A_49 = tpu.memref_slice %arg4[%add3A_45, %dma_wait3A_48] : memref<204800x128xf32, #tpu.memory_space<hbm>> -> memref<128x128xf32, #tpu.memory_space<hbm>>
    tpu.wait_dma2 semaphore(%arg12 : memref<!tpu.dma_semaphore, #tpu.memory_space<semaphore_mem>>) src(%arg9 : memref<128x128xf32, #tpu.memory_space<vmem>>) dst(%dma_wait3A_49 : memref<128x128xf32, #tpu.memory_space<hbm>>)
    %add3A_50 = arith.constant 6272 : i32
    %add3A_51 = arith.addi %mul3A_2, %add3A_50 : i32
    %dma_wait3A_52 = arith.constant 0 : i32
    %dma_wait3A_53 = tpu.memref_slice %arg4[%add3A_51, %dma_wait3A_52] : memref<204800x128xf32, #tpu.memory_space<hbm>> -> memref<128x128xf32, #tpu.memory_space<hbm>>
    %dma_wait3A_54 = arith.constant 0 : i32
    %dma_wait3A_55 = tpu.memref_slice %arg4[%add3A_51, %dma_wait3A_54] : memref<204800x128xf32, #tpu.memory_space<hbm>> -> memref<128x128xf32, #tpu.memory_space<hbm>>
    tpu.wait_dma2 semaphore(%arg12 : memref<!tpu.dma_semaphore, #tpu.memory_space<semaphore_mem>>) src(%arg10 : memref<128x128xf32, #tpu.memory_space<vmem>>) dst(%dma_wait3A_55 : memref<128x128xf32, #tpu.memory_space<hbm>>)
    return
  }
}

</mosaic_0001>

<sc_bundles>
// kernel: kernel.3.cloned.1.call-start
scs
__scs_entry_jumppad:
0x0: {  	(pc) =	sbr.rel $0x88, $3  }
0x1: {  	(tag) =	ssettag $0x0;
	lr =	simm.s32 $0x1  }
0x2: {  	[smem:$0x3F9F] =	sst lr;
	_ =	strace $0xD0000000  }
0x3: {  	_ = 	snop  }
0x4: {  	_ = 	snop  }
0x5: {  	_ = 	snop  }
0x6: {  	_ = 	snop  }
0x7: {  	_ = 	snop  }
__scs_overlays_trampoline_lowered:
0x8: {  	[smem:$0x3FAE] =	sst s0  }
0x9: {  	[smem:$0x3FAF] =	sst s1  }
0xa: {  	[smem:$0x3FB0] =	sst s2  }
0xb: {  	[smem:$0x3FB1] =	sst s3  }
0xc: {  	[smem:$0x3FB2] =	sst s4  }
0xd: {  	[smem:$0x3FB3] =	sst s5  }
0xe: {  	[smem:$0x3FB4] =	sst s6  }
0xf: {  	[smem:$0x3FB5] =	sst s7  }
0x10: {  	[smem:$0x3FB6] =	sst s8  }
0x11: {  	[smem:$0x3FB7] =	sst s9;
	s0 =	simm.s32 @!p0 $0x0  }
0x12: {  	s1 =	sld [smem:$0x3F9D];
	s0 =	simm.s32 @p0 $0x1  }
0x13: {  	[smem:$0x3FB8] =	sst s0;
	s0 =	simm.s32 @!p1 $0x0  }
0x14: {  	s2 =	sld [smem:$0x3F9C];
	s0 =	simm.s32 @p1 $0x1  }
0x15: {  	[smem:$0x3FB9] =	sst s0;
	s0 =	simm.s32 @!p2 $0x0  }
0x16: {  	s3 =	sld [smem:$0x3FDB];
	s0 =	simm.s32 @p2 $0x1  }
0x17: {  	s4 =	simm.s32 $0x1BF5;
	[smem:$0x3FBB] =	sst s0  }
0x18: {  	s0 =	sld [smem:$0x3F9E];
	_ =	swait.ge [sflag:s4], $0x0  }
0x19: {  	s7 =	sld [smem:$0x3F9F]  }
0x1a: {  	s8 =	sadd.s32 $0xFFFFE003, lr  }
0x1b: {  	s9 =	sadd.s32 $0xFFFFFEF7, lr;
	s5 =	simm.s32 $0xFFFFFFFF;
	p2 =	slt.u32 s8, $0xFFFFF086  }
0x1c: {  	p1 =	slt.u32 s9, $0xF7A;
	s5 =	simm.s32 @!p2 $0x0  }
0x1d: {  	s5 =	simm.s32 @p1 $0x1;
	p0 =	seq.s32 s7, s2  }
0x1e: {  	s7 =	smul.u32 @!p0 $0xF7A, s2;
	p2 =	seq.s32 @!p0 s5, $0x0  }
0x1f: {  	s9 =	smul.u32 $0xF7A, s1;
	s8 =	simm.s32 @!p0 $0x1BF5;
	p2 =	por !p2, p0  }
0x20: {  	[sflag:s8] =	ssyncset.s32 @!p0 $0xFFFFF086;
	s6 =	sadd.s32 @!p0 s3, s7;
	s7 =	simm.s32 @!p0 $0x108  }
0x21: {  	s3 =	sadd.s32 s3, s9;
	s6 =	sadd.s32 @!p0 $0x88, s6;
	s7 =	simm.s32 @p2 $0x1082  }
0x22: {  	[simem:s7], [sflag:s8] =	dma.local @!p0 [hbm:s6], $0xF7A  }
0x23: {  	s9 =	sor.u32 $0xD0000000, s2;
	s6 =	simm.s32 $0x108;
	_ =	swait.ge @!p0 [sflag:s8], $0x0  }
0x24: {  	s3 =	sadd.s32 $0x88, s3;
	s6 =	simm.s32 @!p1 $0x1082;
	[sflag:s4] =	ssyncset.s32 $0xFFFFF086  }
0x25: {  	[simem:s6], [sflag:s4] =	dma.local [hbm:s3], $0xF7A  }
0x26: {  	[smem:$0x3F9F] =	sst s1;
	(tag) =	ssettag s2;
	_ =	strace s9  }
0x27: {  	s1 =	sld [smem:$0x3FAF]  }
0x28: {  	s2 =	sld [smem:$0x3FB0]  }
0x29: {  	s4 =	sld [smem:$0x3FB2]  }
0x2a: {  	p0 =	seq.s32 s5, $0x0;
	s5 =	sld [smem:$0x3FB3]  }
0x2b: {  	s6 =	sld [smem:$0x3FB4]  }
0x2c: {  	s7 =	sld [smem:$0x3FB5]  }
0x2d: {  	s3 =	simm.s32 $0x108;
	s8 =	sld [smem:$0x3FB6]  }
0x2e: {  	s3 =	simm.s32 @!p0 $0x1082;
	s9 =	sld [smem:$0x3FB7]  }
0x2f: {  	lr =	sadd.s32 s0, s3;
	s0 =	sld [smem:$0x3FAE]  }
0x30: {  	s3 =	sld [smem:$0x3FB1]  }
0x31: {  	[smem:$0x3FBA] =	sst s10  }
0x32: {  	s10 =	sld [smem:$0x3FB8];
	_ =	sdelay $0x3  }
0x33: {  	p0 =	seq.s32 s10, $0x1;
	s10 =	sld [smem:$0x3FBA];
	_ =	sdelay $0x3  }
0x34: {  	[smem:$0x3FBA] =	sst s10  }
0x35: {  	s10 =	sld [smem:$0x3FB9];
	_ =	sdelay $0x3  }
0x36: {  	p1 =	seq.s32 s10, $0x1;
	s10 =	sld [smem:$0x3FBA];
	_ =	sdelay $0x3  }
0x37: {  	[smem:$0x3FBA] =	sst s10  }
0x38: {  	s10 =	sld [smem:$0x3FBB]  }
0x39: {  	_ = 	snop;
	(pc) =	sbr.ind lr, $3  }
0x3a: {  	_ = 	snop  }
0x3b: {  	_ = 	snop  }
0x3c: {  	p2 =	seq.s32 s10, $0x1;
	s10 =	sld [smem:$0x3FBA]  }
0x3d: {  	_ =	shalt  }
0x3e: {  	_ =	shalt  }
0x3f: {  	_ =	shalt  }
0x40: {  	_ =	shalt  }
0x41: {  	_ =	shalt  }
0x42: {  	_ =	shalt  }
0x43: {  	_ =	shalt  }
0x44: {  	_ =	shalt  }
0x45: {  	_ =	shalt  }
0x46: {  	_ =	shalt  }
0x47: {  	_ =	shalt  }
0x48: {  	_ =	shalt  }
0x49: {  	_ =	shalt  }
0x4a: {  	_ =	shalt  }
0x4b: {  	_ =	shalt  }
0x4c: {  	_ =	shalt  }
0x4d: {  	_ =	shalt  }
0x4e: {  	_ =	shalt  }
0x4f: {  	_ =	shalt  }
0x50: {  	_ =	shalt  }
0x51: {  	_ =	shalt  }
0x52: {  	_ =	shalt  }
0x53: {  	_ =	shalt  }
0x54: {  	_ =	shalt  }
0x55: {  	_ =	shalt  }
0x56: {  	_ =	shalt  }
0x57: {  	_ =	shalt  }
0x58: {  	_ =	shalt  }
0x59: {  	_ =	shalt  }
0x5a: {  	_ =	shalt  }
0x5b: {  	_ =	shalt  }
0x5c: {  	_ =	shalt  }
0x5d: {  	_ =	shalt  }
0x5e: {  	_ =	shalt  }
0x5f: {  	_ =	shalt  }
0x60: {  	_ =	shalt  }
0x61: {  	_ =	shalt  }
0x62: {  	_ =	shalt  }
0x63: {  	_ =	shalt  }
0x64: {  	_ =	shalt  }
0x65: {  	_ =	shalt  }
0x66: {  	_ =	shalt  }
0x67: {  	_ =	shalt  }
0x68: {  	_ =	shalt  }
0x69: {  	_ =	shalt  }
0x6a: {  	_ =	shalt  }
0x6b: {  	_ =	shalt  }
0x6c: {  	_ =	shalt  }
0x6d: {  	_ =	shalt  }
0x6e: {  	_ =	shalt  }
0x6f: {  	_ =	shalt  }
0x70: {  	_ =	shalt  }
0x71: {  	_ =	shalt  }
0x72: {  	_ =	shalt  }
0x73: {  	_ =	shalt  }
0x74: {  	_ =	shalt  }
0x75: {  	_ =	shalt  }
0x76: {  	_ =	shalt  }
0x77: {  	_ =	shalt  }
0x78: {  	_ =	shalt  }
0x79: {  	_ =	shalt  }
0x7a: {  	_ =	shalt  }
0x7b: {  	_ =	shalt  }
0x7c: {  	_ =	shalt  }
0x7d: {  	_ =	shalt  }
0x7e: {  	_ =	shalt  }
0x7f: {  	_ =	shalt  }
0x80: {  	_ =	shalt  }
0x81: {  	_ =	shalt  }
0x82: {  	_ =	shalt  }
0x83: {  	_ =	shalt  }
0x84: {  	_ =	shalt  }
0x85: {  	_ =	shalt  }
0x86: {  	_ =	shalt  }
0x87: {  	_ =	shalt  }
.Lfunc_end0:
.L_simem_size_0:
called_computation_lowered:
.L_overlay_start_0:
0x88: {  	s2 =	sld [smem:$0x3FD9]  }
0x89: {  	s3 =	sld [smem:$0x3FFE];
	_ =	sdelay $0x1  }
0x8a: {  	s1 =	srdreg.scid  }
0x8b: {  	s0 =	sand.u32 $0x1, s1  }
0x8c: {  	s17 =	sshll.u32 s0, $0xA;
	s2 =	sadd.s32 s3, s2  }
0x8d: {  	s2 =	sadd.s32 s2, s17  }
0x8e: {  	[smem:$0x3FC6] =	sst s2  }
0x8f: {  	_ = 	snop  }
0x90: {  	s2 =	sld [smem:$0x3FC8]  }
0x91: {  	s18 =	sld [smem:$0x3FD0];
	(tm) =	ssettm $0x1  }
0x92: {  	s4 =	sld [smem:$0x3FFB];
	_ =	sdelay $0x3  }
0x93: {  	_ =	strace s4  }
0x94: {  	s4 =	sld [smem:$0x3FFC];
	_ =	sdelay $0x3  }
0x95: {  	_ =	strace s4  }
0x96: {  	s4 =	sld [smem:$0x3FFD];
	_ =	sdelay $0x3  }
0x97: {  	_ =	strace s4  }
0x98: {  	_ =	strace $0x8FFFFFFF  }
0x99: {  	s19 =	sld [smem:$0x3FDB];
	_ =	sdelay $0x1  }
0x9a: {  	s5 =	simm.s32 $_scs_section_size  }
0x9b: {  	s6 =	simm.s32 $_size__tile_overlayer_lowered;
	s7 =	simm.s32 $_tile_overlayer_lowered  }
0x9c: {  	s22 =	simm.s32 $0x1BFF;
	s21 =	sshll.u32 s7, $0x1;
	s4 =	sadd.s32 s5, s19  }
0x9d: {  	s8 =	simm.s32 $0x0;
	s20 =	sshll.u32 s6, $0x1;
	s6 =	sadd.s32 s21, s4  }
0x9e: {  	[timem:s8], [sflag:s22] =	dma.local [hbm:s6], s20  }
0x9f: {  	_ =	swait.ge [sflag:s22], s20  }
0xa0: {  	s5 =	ssub.s32 $0x0, s20;
	[sflag:s22] =	ssyncset.done $0x0  }
0xa1: {  	[sflag:s22] =	ssyncadd.s32 s5;
	_ =	sdelay $0x1  }
0xa2: {  	s23 =	simm.s32 $0x1B8B  }
0xa3: {  	_ =	swait.ge [sflag:s23], $0x1  }
0xa4: {  	[sflag:s23] =	ssyncset.done $0x0  }
0xa5: {  	s25 =	simm.s32 $0x1B8E;
	s24 =	sld [smem:$0x3FFE];
	[sflag:s23] =	ssyncadd.s32 $0xFFFFFFFF  }
0xa6: {  	s26 =	simm.s32 $execute0_lowered;
	[smem:$0x3FD2] =	sst s25  }
0xa7: {  	s6 =	sshll.u32 s26, $0x1;
	_ =	strace $0x80000046;
	[dreg:$0x1] =	wrdreg $0xFFFFFFFF  }
0xa8: {  	s28 =	simm.s32 $_size_execute0_lowered;
	s4 =	sadd.s32 s4, s6;
	[dreg:$0x0] =	wrdreg $0x0  }
0xa9: {  	s6 =	sshll.u32 s28, $0x1;
	[dreg:$0x2] =	wrdreg s4  }
0xaa: {  	[dreg:$0x3] =	wrdreg s6  }
0xab: {  	[dreg:$0x4] =	wrdreg $0xC0  }
0xac: {  	_ =	task [dreg:s8], $0x5FFFF  }
0xad: {  	[dreg:$0x1] =	wrdreg $0xFFFFFFFF  }
0xae: {  	[dreg:$0x0] =	wrdreg $0x60  }
0xaf: {  	[dreg:$0x2] =	wrdreg s24  }
0xb0: {  	[dreg:$0x3] =	wrdreg s2  }
0xb1: {  	[dreg:$0x4] =	wrdreg s18  }
0xb2: {  	[dreg:$0x5] =	wrdreg $0x9  }
0xb3: {  	_ =	task.clear_ibuf [dreg:s8], $0x6FFFF;
	_ =	strace $0x90000046  }
0xb4: {  	s29 =	simm.s32 $0x9;
	_ =	strace $0x80000048  }
0xb5: {  	_ =	swait.ge [sflag:s29], $0x1  }
0xb6: {  	[sflag:s29] =	ssyncadd.s32 $0xFFFFFFFF  }
0xb7: {  	_ =	strace $0x90000048  }
0xb8: {  	_ =	sfence  }
0xb9: {  	s30 =	sld [smem:$0x0];
	_ =	sdelay $0x2  }
0xba: {  	s31 =	sshll.u32 s1, $0xD;
	s1 =	sshrl.u32 s1, $0x2  }
0xbb: {  	s3 =	sand.u32 $0x4000, s31;
	s1 =	sadd.s32 s1, s30  }
0xbc: {  	s0 =	sor.u32 s3, s0;
	s1 =	sshll.u32 s1, $0x11  }
0xbd: {  	s0 =	sor.u32 s1, s0  }
0xbe: {  	s0 =	sadd.s32 $0x8F2B, s0  }
0xbf: {  	[sflag:s0] =	ssyncadd.remote.s32 $0x1  }
0xc0: {  	_ =	sfence.sel $0xFFFF  }
0xc1: {  	[dreg:$0x0] =	wrdreg $0xFFFFFFFF;
	(pc) =	sbr.abs _section_cstart, $3  }
0xc2: {  	[dreg:$0x1] =	wrdreg $0xFFFFFFFF  }
0xc3: {  	_ =	task.clear_ibuf [dreg:s8], $0x2FFFF;
	_ =	strace $0x9FFFFFFF  }
0xc4: {  	(tm) =	ssettm $0x7FFFFFFF  }
0xc5: {  	_ =	shalt  }
tec
execute0_lowered:
.L_overlay_start_1:
0x0: {  	(tag) =	ssettag $0x1  }
0x1: {  	s6 =	rddreg [dreg:$0x0]  }
0x2: {  	s1 =	srdreg.scid;
	s2 =	rddreg [dreg:$0x1]  }
0x3: {  	s0 =	stileid.u32;
	s3 =	rddreg [dreg:$0x2];
	s5 =	simm.s32 $0x0  }
0x4: {  	s12 =	simm.s32 $0x3;
	s13 =	simm.s32 $0x80;
	s14 =	simm.s32 $0x1900  }
0x5: {  	s15 =	simm.s32 $0x5900;
	s16 =	simm.s32 $0x100;
	s17 =	simm.s32 $0x9900  }
0x6: {  	s18 =	simm.s32 $0x180;
	s19 =	simm.s32 $0xD900;
	s20 =	simm.s32 $0x1  }
0x7: {  	s21 =	simm.s32 $0x11900;
	s7 =	sand.u32 $0x1, s1;
	s31 =	sshll.u32 s0, $0x1  }
0x8: {  	s22 =	simm.s32 $0x2;
	s23 =	simm.s32 $0x0;
	s10 =	sor.u32 s7, s31  }
0x9: {  	[smem:$0x7FF] =	sst s5;
	s7 =	ssub.s32 $0x2, s7;
	s4 =	smul.u32 $0x1900, s10  }
0xa: {  	s1 =	rddreg [dreg:$0x3];
	_ =	strace $0x80000047;
	s9 =	sshrl.u32 s7, $0x1  }
0xb: {  	s10 =	smul.u32 $0xC8000, s10;
	s11 =	ssub.s32 s7, s9;
	s8 =	sshrl.u32 s4, $0x3  }
0xc: {  	s7 =	sor.u32 $0x80, s4;
	s9 =	sadd.s32 $0x180, s4;
	s6 =	sadd.s32 s8, s6  }
0xd: {  	s11 =	smax.u32 s11, $0x1;
	s8 =	sadd.s32 $0x100, s4;
	s6 =	sadd.s32 $0x400, s6  }
.LBB2_1:
0xe: {  	[tilespmem:s5], [sflag:$0x3] =	stream.linear.gather [hbm4b:s6+s5], $0x1900, $0x38;
	[tilespmem:$0x15900] =	vst v63  }
0xf: {  	_ =	swait.ge [sflag:s12], $0x1900  }
0x10: {  	[sflag:s12] =	ssyncset.done $0x0  }
0x11: {  	[sflag:s12] =	ssyncadd.s32 $0xFFFFE700  }
0x12: {  	[tilespmem:s14], [sflag:$0x1] =	stream.indirect.gather [hbm4b:s2+s13], $0x80, s5, s13, $0xb8;
	[tilespmem:$0x15900] =	vst v63  }
0x13: {  	_ = 	snop  }
0x14: {  	[tilespmem:s15], [sflag:$0x1] =	stream.indirect.gather [hbm4b:s2+s13], $0x80, s13, s13, $0xb8;
	[tilespmem:$0x15900] =	vst v63  }
0x15: {  	_ = 	snop  }
0x16: {  	[tilespmem:s17], [sflag:$0x1] =	stream.indirect.gather [hbm4b:s2+s13], $0x80, s16, s13, $0xb8;
	[tilespmem:$0x15900] =	vst v63  }
0x17: {  	s24 =	simm.s32 $0x0  }
0x18: {  	[tilespmem:s19], [sflag:$0x1] =	stream.indirect.gather [hbm4b:s2+s13], $0x80, s18, s13, $0xb8;
	[tilespmem:$0x15900] =	vst v63  }
.LBB2_2:
0x19: {  	_ =	swait.ge [sflag:s20], $0x4000  }
0x1a: {  	s25 =	smul.u32 $0x5, s24;
	p0 =	seq.s32 s24, $0x0;
	[sflag:s20] =	ssyncset.done $0x0  }
0x1b: {  	s26 =	simm.s32 @!p0 $0x2;
	[sflag:s20] =	ssyncadd.s32 $0xFFFFC000  }
0x1c: {  	s25 =	sadd.s32 $0x4, s25;
	_ =	swait.ge @!p0 [sflag:s26], $0x4000  }
0x1d: {  	s28 =	sshll.u32 s25, $0x7;
	[sflag:s26] =	ssyncset.done @!p0 $0x0  }
0x1e: {  	s31 =	sand.u32 $0x3FFFFF80, s28;
	s28 =	simm.s32 $0x1980;
	[sflag:s26] =	ssyncadd.s32 @!p0 $0xFFFFC000  }
0x1f: {  	[tilespmem:s21], [sflag:$0x1] =	stream.indirect.gather [hbm4b:s2+s13], $0x80, s31, s13, $0xb8;
	[tilespmem:$0x15900] =	vst v63  }
0x20: {  	v0 =	vld [tilespmem:s28+$0xFFFFFF80]  }
0x21: {  	v1 =	vld [tilespmem:s28+$0xFFFFFF90]  }
0x22: {  	v2 =	vld [tilespmem:s28+$0xFFFFFFA0]  }
0x23: {  	v3 =	vld [tilespmem:s28+$0xFFFFFFB0]  }
0x24: {  	v4 =	vld [tilespmem:s28+$0xFFFFFFC0]  }
0x25: {  	v5 =	vld [tilespmem:s28+$0xFFFFFFD0];
	v0 =	vmul.f32 $1.131370830e+01, v0  }
0x26: {  	v6 =	vld [tilespmem:s28+$0xFFFFFFE0];
	v1 =	vmul.f32 $1.131370830e+01, v1  }
0x27: {  	[tilespmem:s28+$0xFFFFFF80] =	vst v0;
	v0 =	vmul.f32 $1.131370830e+01, v2;
	v2 =	vld [tilespmem:s28+$0x0]  }
0x28: {  	[tilespmem:s28+$0xFFFFFF90] =	vst v1;
	v1 =	vmul.f32 $1.131370830e+01, v3;
	v3 =	vld [tilespmem:s28+$0x10]  }
0x29: {  	[tilespmem:s28+$0xFFFFFFA0] =	vst v0;
	v0 =	vmul.f32 $1.131370830e+01, v4;
	v4 =	vld [tilespmem:s28+$0x20]  }
0x2a: {  	v7 =	vld [tilespmem:s28+$0x30];
	[tilespmem:s28+$0xFFFFFFB0] =	vst v1;
	v1 =	vmul.f32 $1.131370830e+01, v5  }
0x2b: {  	v5 =	vmul.f32 $1.131370830e+01, v6;
	[tilespmem:s28+$0xFFFFFFC0] =	vst v0;
	v0 =	vld [tilespmem:s28+$0x40]  }
0x2c: {  	[tilespmem:s28+$0xFFFFFFD0] =	vst v1;
	v1 =	vmul.f32 $1.131370830e+01, v2;
	v2 =	vld [tilespmem:s28+$0x50]  }
0x2d: {  	[tilespmem:s28+$0xFFFFFFE0] =	vst v5;
	v6 =	vmul.f32 $1.131370830e+01, v3;
	v3 =	vld [tilespmem:s28+$0x60]  }
0x2e: {  	[tilespmem:s28+$0x0] =	vst v1;
	v5 =	vmul.f32 $1.131370830e+01, v4;
	v4 =	vld [tilespmem:s28+$0x70]  }
0x2f: {  	s29 =	simm.s32 $0x1A80;
	s26 =	simm.s32 $0x0;
	v1 =	vld [tilespmem:s28+$0xFFFFFFF0];
	[tilespmem:s28+$0x10] =	vst v6;
	v6 =	vmul.f32 $1.131370830e+01, v7  }
.LBB2_3:
0x30: {  	v7 =	vld [tilespmem:s29+$0xFFFFFF80];
	[tilespmem:s28+$0x20] =	vst v5;
	v0 =	vmul.f32 $1.131370830e+01, v0  }
0x31: {  	v5 =	vld [tilespmem:s29+$0xFFFFFF90];
	[tilespmem:s28+$0x30] =	vst v6;
	v2 =	vmul.f32 $1.131370830e+01, v2  }
0x32: {  	v6 =	vld [tilespmem:s29+$0xFFFFFFA0];
	[tilespmem:s28+$0x40] =	vst v0;
	v0 =	vmul.f32 $1.131370830e+01, v3  }
0x33: {  	v3 =	vld [tilespmem:s29+$0xFFFFFFB0];
	[tilespmem:s28+$0x50] =	vst v2;
	v2 =	vmul.f32 $1.131370830e+01, v4  }
0x34: {  	v4 =	vld [tilespmem:s29+$0xFFFFFFC0];
	v1 =	vmul.f32 $1.131370830e+01, v1;
	[tilespmem:s28+$0x60] =	vst v0  }
0x35: {  	v0 =	vmul.f32 $1.131370830e+01, v7;
	v7 =	vld [tilespmem:s29+$0xFFFFFFD0];
	[tilespmem:s28+$0x70] =	vst v2  }
0x36: {  	v2 =	vmul.f32 $1.131370830e+01, v5;
	v5 =	vld [tilespmem:s29+$0xFFFFFFE0];
	[tilespmem:s28+$0xFFFFFFF0] =	vst v1;
	s28 =	smov.u32 s29  }
0x37: {  	[tilespmem:s29+$0xFFFFFF80] =	vst v0;
	v0 =	vmul.f32 $1.131370830e+01, v6;
	v1 =	vld [tilespmem:s29+$0x0]  }
0x38: {  	[tilespmem:s29+$0xFFFFFF90] =	vst v2;
	v2 =	vmul.f32 $1.131370830e+01, v3;
	v3 =	vld [tilespmem:s29+$0x10]  }
0x39: {  	s26 =	sadd.s32 $0x2, s26;
	[tilespmem:s29+$0xFFFFFFA0] =	vst v0;
	v0 =	vmul.f32 $1.131370830e+01, v4;
	v4 =	vld [tilespmem:s29+$0x20]  }
0x3a: {  	p0 =	slt.u32 s26, $0x7E;
	[tilespmem:s29+$0xFFFFFFB0] =	vst v2;
	v2 =	vmul.f32 $1.131370830e+01, v7;
	v6 =	vld [tilespmem:s29+$0x30]  }
.Ltmp0:
0x3b: {  	[tilespmem:s29+$0xFFFFFFC0] =	vst v0;
	v5 =	vmul.f32 $1.131370830e+01, v5;
	v0 =	vld [tilespmem:s29+$0x40];
	(pc) =	sbr.rel @p0 .LBB2_3-.Ltmp0, $4  }
0x3c: {  	[tilespmem:s29+$0xFFFFFFD0] =	vst v2;
	v1 =	vmul.f32 $1.131370830e+01, v1;
	v2 =	vld [tilespmem:s29+$0x50]  }
0x3d: {  	[tilespmem:s29+$0xFFFFFFE0] =	vst v5;
	v7 =	vmul.f32 $1.131370830e+01, v3;
	v3 =	vld [tilespmem:s29+$0x60]  }
0x3e: {  	[tilespmem:s29+$0x0] =	vst v1;
	v5 =	vmul.f32 $1.131370830e+01, v4;
	v4 =	vld [tilespmem:s29+$0x70]  }
0x3f: {  	s29 =	sadd.s32 $0x100, s29;
	v1 =	vld [tilespmem:s28+$0xFFFFFFF0];
	[tilespmem:s28+$0x10] =	vst v7;
	v6 =	vmul.f32 $1.131370830e+01, v6  }
0x40: {  	[tilespmem:s28+$0x20] =	vst v5;
	v0 =	vmul.f32 $1.131370830e+01, v0  }
0x41: {  	[tilespmem:s28+$0x30] =	vst v6;
	v2 =	vmul.f32 $1.131370830e+01, v2  }
0x42: {  	s26 =	smul.u32 $0x280, s24;
	[tilespmem:s28+$0x40] =	vst v0;
	v0 =	vmul.f32 $1.131370830e+01, v3  }
0x43: {  	[tilespmem:s28+$0x50] =	vst v2;
	v2 =	vmul.f32 $1.131370830e+01, v4  }
0x44: {  	s29 =	sadd.s32 s4, s26;
	v1 =	vmul.f32 $1.131370830e+01, v1;
	[tilespmem:s28+$0x60] =	vst v0  }
0x45: {  	s29 =	sshll.u32 s29, $0x4;
	[tilespmem:s28+$0x70] =	vst v2  }
0x46: {  	[tilespmem:s28+$0xFFFFFFF0] =	vst v1;
	s28 =	sadd.s32 s3, s29  }
0x47: {  	[hbm4b:s28+s5] =	stream.linear.scatter [tilespmem:s14], [sflag:$0x2], $0x4000, $0x38;
	[tilespmem:$0x15900] =	vst v63  }
0x48: {  	_ =	swait.ge [sflag:s20], $0x4000  }
0x49: {  	p0 =	seq.s32 s24, $0x9;
	[sflag:s20] =	ssyncset.done $0x0  }
0x4a: {  	s28 =	simm.s32 @!p0 $0x2;
	[sflag:s20] =	ssyncadd.s32 $0xFFFFC000  }
0x4b: {  	s29 =	smul.u32 @!p0 $0xA00, s24;
	_ =	swait.ge @!p0 [sflag:s28], $0x4000  }
0x4c: {  	[sflag:s28] =	ssyncset.done @!p0 $0x0  }
0x4d: {  	[sflag:s28] =	ssyncadd.s32 @!p0 $0xFFFFC000;
	s28 =	sshra.s32 @!p0 s29, $0x2  }
0x4e: {  	s30 =	simm.s32 @!p0 $0x80;
	s31 =	simm.s32 @!p0 $0x1900;
	s29 =	sadd.s32 @!p0 $0x280, s28  }
0x4f: {  	[tilespmem:s31], [sflag:$0x1] =	stream.indirect.gather @!p0 [hbm4b:s2+s30], $0x80, s29, s30, $0xb8;
	[tilespmem:$0x15900] =	vst v63  }
0x50: {  	s29 =	simm.s32 $0x5980  }
0x51: {  	v0 =	vld [tilespmem:s29+$0xFFFFFF80]  }
0x52: {  	v1 =	vld [tilespmem:s29+$0xFFFFFF90]  }
0x53: {  	v2 =	vld [tilespmem:s29+$0xFFFFFFA0]  }
0x54: {  	v3 =	vld [tilespmem:s29+$0xFFFFFFB0]  }
0x55: {  	v4 =	vld [tilespmem:s29+$0xFFFFFFC0]  }
0x56: {  	v5 =	vld [tilespmem:s29+$0xFFFFFFD0];
	v0 =	vmul.f32 $1.131370830e+01, v0  }
0x57: {  	v6 =	vld [tilespmem:s29+$0xFFFFFFE0];
	v1 =	vmul.f32 $1.131370830e+01, v1  }
0x58: {  	[tilespmem:s29+$0xFFFFFF80] =	vst v0;
	v0 =	vmul.f32 $1.131370830e+01, v2;
	v2 =	vld [tilespmem:s29+$0x0]  }
0x59: {  	[tilespmem:s29+$0xFFFFFF90] =	vst v1;
	v1 =	vmul.f32 $1.131370830e+01, v3;
	v3 =	vld [tilespmem:s29+$0x10]  }
0x5a: {  	[tilespmem:s29+$0xFFFFFFA0] =	vst v0;
	v0 =	vmul.f32 $1.131370830e+01, v4;
	v4 =	vld [tilespmem:s29+$0x20]  }
0x5b: {  	v7 =	vld [tilespmem:s29+$0x30];
	[tilespmem:s29+$0xFFFFFFB0] =	vst v1;
	v1 =	vmul.f32 $1.131370830e+01, v5  }
0x5c: {  	v5 =	vmul.f32 $1.131370830e+01, v6;
	[tilespmem:s29+$0xFFFFFFC0] =	vst v0;
	v0 =	vld [tilespmem:s29+$0x40]  }
0x5d: {  	[tilespmem:s29+$0xFFFFFFD0] =	vst v1;
	v1 =	vld [tilespmem:s29+$0x50];
	v2 =	vmul.f32 $1.131370830e+01, v2  }
0x5e: {  	[tilespmem:s29+$0xFFFFFFE0] =	vst v5;
	v6 =	vmul.f32 $1.131370830e+01, v3;
	v3 =	vld [tilespmem:s29+$0x60]  }
0x5f: {  	[tilespmem:s29+$0x0] =	vst v2;
	v5 =	vmul.f32 $1.131370830e+01, v4;
	v4 =	vld [tilespmem:s29+$0x70]  }
0x60: {  	s30 =	simm.s32 $0x0;
	s31 =	simm.s32 $0x5A80;
	v2 =	vld [tilespmem:s29+$0xFFFFFFF0];
	[tilespmem:s29+$0x10] =	vst v6;
	v6 =	vmul.f32 $1.131370830e+01, v7  }
.LBB2_5:
0x61: {  	v7 =	vld [tilespmem:s31+$0xFFFFFF80];
	[tilespmem:s29+$0x20] =	vst v5;
	v0 =	vmul.f32 $1.131370830e+01, v0  }
0x62: {  	v5 =	vld [tilespmem:s31+$0xFFFFFF90];
	[tilespmem:s29+$0x30] =	vst v6;
	v1 =	vmul.f32 $1.131370830e+01, v1  }
0x63: {  	v6 =	vld [tilespmem:s31+$0xFFFFFFA0];
	[tilespmem:s29+$0x40] =	vst v0;
	v0 =	vmul.f32 $1.131370830e+01, v3  }
0x64: {  	v3 =	vld [tilespmem:s31+$0xFFFFFFB0];
	[tilespmem:s29+$0x50] =	vst v1;
	v1 =	vmul.f32 $1.131370830e+01, v4  }
0x65: {  	v4 =	vld [tilespmem:s31+$0xFFFFFFC0];
	v2 =	vmul.f32 $1.131370830e+01, v2;
	[tilespmem:s29+$0x60] =	vst v0  }
0x66: {  	v0 =	vmul.f32 $1.131370830e+01, v7;
	v7 =	vld [tilespmem:s31+$0xFFFFFFD0];
	[tilespmem:s29+$0x70] =	vst v1  }
0x67: {  	v1 =	vmul.f32 $1.131370830e+01, v5;
	v5 =	vld [tilespmem:s31+$0xFFFFFFE0];
	[tilespmem:s29+$0xFFFFFFF0] =	vst v2;
	s29 =	smov.u32 s31  }
0x68: {  	[tilespmem:s31+$0xFFFFFF80] =	vst v0;
	v0 =	vmul.f32 $1.131370830e+01, v6;
	v2 =	vld [tilespmem:s31+$0x0]  }
0x69: {  	[tilespmem:s31+$0xFFFFFF90] =	vst v1;
	v1 =	vmul.f32 $1.131370830e+01, v3;
	v3 =	vld [tilespmem:s31+$0x10]  }
0x6a: {  	s30 =	sadd.s32 $0x2, s30;
	[tilespmem:s31+$0xFFFFFFA0] =	vst v0;
	v0 =	vmul.f32 $1.131370830e+01, v4;
	v4 =	vld [tilespmem:s31+$0x20]  }
0x6b: {  	p1 =	slt.u32 s30, $0x7E;
	[tilespmem:s31+$0xFFFFFFB0] =	vst v1;
	v1 =	vmul.f32 $1.131370830e+01, v7;
	v6 =	vld [tilespmem:s31+$0x30]  }
.Ltmp1:
0x6c: {  	[tilespmem:s31+$0xFFFFFFC0] =	vst v0;
	v5 =	vmul.f32 $1.131370830e+01, v5;
	v0 =	vld [tilespmem:s31+$0x40];
	(pc) =	sbr.rel @p1 .LBB2_5-.Ltmp1, $4  }
0x6d: {  	[tilespmem:s31+$0xFFFFFFD0] =	vst v1;
	v2 =	vmul.f32 $1.131370830e+01, v2;
	v1 =	vld [tilespmem:s31+$0x50]  }
0x6e: {  	[tilespmem:s31+$0xFFFFFFE0] =	vst v5;
	v7 =	vmul.f32 $1.131370830e+01, v3;
	v3 =	vld [tilespmem:s31+$0x60]  }
0x6f: {  	[tilespmem:s31+$0x0] =	vst v2;
	v5 =	vmul.f32 $1.131370830e+01, v4;
	v4 =	vld [tilespmem:s31+$0x70]  }
0x70: {  	s31 =	sadd.s32 $0x100, s31;
	v2 =	vld [tilespmem:s29+$0xFFFFFFF0];
	[tilespmem:s29+$0x10] =	vst v7;
	v6 =	vmul.f32 $1.131370830e+01, v6  }
0x71: {  	[tilespmem:s29+$0x20] =	vst v5;
	v0 =	vmul.f32 $1.131370830e+01, v0  }
0x72: {  	[tilespmem:s29+$0x30] =	vst v6;
	v1 =	vmul.f32 $1.131370830e+01, v1  }
0x73: {  	[tilespmem:s29+$0x40] =	vst v0;
	v0 =	vmul.f32 $1.131370830e+01, v3  }
0x74: {  	[tilespmem:s29+$0x50] =	vst v1;
	v1 =	vmul.f32 $1.131370830e+01, v4  }
0x75: {  	s30 =	sadd.s32 s26, s7;
	v2 =	vmul.f32 $1.131370830e+01, v2;
	[tilespmem:s29+$0x60] =	vst v0  }
0x76: {  	s30 =	sshll.u32 s30, $0x4;
	[tilespmem:s29+$0x70] =	vst v1  }
0x77: {  	[tilespmem:s29+$0xFFFFFFF0] =	vst v2;
	s29 =	sadd.s32 s3, s30  }
0x78: {  	[hbm4b:s29+s5] =	stream.linear.scatter [tilespmem:s15], [sflag:$0x2], $0x4000, $0x38;
	[tilespmem:$0x15900] =	vst v63  }
0x79: {  	_ =	swait.ge [sflag:s20], $0x4000  }
0x7a: {  	[sflag:s20] =	ssyncset.done $0x0  }
0x7b: {  	s29 =	simm.s32 @!p0 $0x2;
	[sflag:s20] =	ssyncadd.s32 $0xFFFFC000  }
0x7c: {  	_ =	swait.ge @!p0 [sflag:s29], $0x4000  }
0x7d: {  	s31 =	simm.s32 @!p0 $0x5900;
	[sflag:s29] =	ssyncset.done @!p0 $0x0  }
0x7e: {  	s30 =	simm.s32 @!p0 $0x80;
	[sflag:s29] =	ssyncadd.s32 @!p0 $0xFFFFC000;
	s29 =	sadd.s32 @!p0 $0x300, s28  }
0x7f: {  	[tilespmem:s31], [sflag:$0x1] =	stream.indirect.gather @!p0 [hbm4b:s2+s30], $0x80, s29, s30, $0xb8;
	[tilespmem:$0x15900] =	vst v63  }
0x80: {  	s29 =	simm.s32 $0x9980  }
0x81: {  	v0 =	vld [tilespmem:s29+$0xFFFFFF80]  }
0x82: {  	v1 =	vld [tilespmem:s29+$0xFFFFFF90]  }
0x83: {  	v2 =	vld [tilespmem:s29+$0xFFFFFFA0]  }
0x84: {  	v3 =	vld [tilespmem:s29+$0xFFFFFFB0]  }
0x85: {  	v4 =	vld [tilespmem:s29+$0xFFFFFFC0]  }
0x86: {  	v5 =	vld [tilespmem:s29+$0xFFFFFFD0];
	v0 =	vmul.f32 $1.131370830e+01, v0  }
0x87: {  	v6 =	vld [tilespmem:s29+$0xFFFFFFE0];
	v1 =	vmul.f32 $1.131370830e+01, v1  }
0x88: {  	[tilespmem:s29+$0xFFFFFF80] =	vst v0;
	v0 =	vmul.f32 $1.131370830e+01, v2;
	v2 =	vld [tilespmem:s29+$0x0]  }
0x89: {  	[tilespmem:s29+$0xFFFFFF90] =	vst v1;
	v1 =	vmul.f32 $1.131370830e+01, v3;
	v3 =	vld [tilespmem:s29+$0x10]  }
0x8a: {  	[tilespmem:s29+$0xFFFFFFA0] =	vst v0;
	v0 =	vmul.f32 $1.131370830e+01, v4;
	v4 =	vld [tilespmem:s29+$0x20]  }
0x8b: {  	v7 =	vld [tilespmem:s29+$0x30];
	[tilespmem:s29+$0xFFFFFFB0] =	vst v1;
	v1 =	vmul.f32 $1.131370830e+01, v5  }
0x8c: {  	v5 =	vmul.f32 $1.131370830e+01, v6;
	[tilespmem:s29+$0xFFFFFFC0] =	vst v0;
	v0 =	vld [tilespmem:s29+$0x40]  }
0x8d: {  	[tilespmem:s29+$0xFFFFFFD0] =	vst v1;
	v1 =	vld [tilespmem:s29+$0x50];
	v2 =	vmul.f32 $1.131370830e+01, v2  }
0x8e: {  	[tilespmem:s29+$0xFFFFFFE0] =	vst v5;
	v6 =	vmul.f32 $1.131370830e+01, v3;
	v3 =	vld [tilespmem:s29+$0x60]  }
0x8f: {  	[tilespmem:s29+$0x0] =	vst v2;
	v5 =	vmul.f32 $1.131370830e+01, v4;
	v4 =	vld [tilespmem:s29+$0x70]  }
0x90: {  	s30 =	simm.s32 $0x0;
	s31 =	simm.s32 $0x9A80;
	v2 =	vld [tilespmem:s29+$0xFFFFFFF0];
	[tilespmem:s29+$0x10] =	vst v6;
	v6 =	vmul.f32 $1.131370830e+01, v7  }
.LBB2_7:
0x91: {  	v7 =	vld [tilespmem:s31+$0xFFFFFF80];
	[tilespmem:s29+$0x20] =	vst v5;
	v0 =	vmul.f32 $1.131370830e+01, v0  }
0x92: {  	v5 =	vld [tilespmem:s31+$0xFFFFFF90];
	[tilespmem:s29+$0x30] =	vst v6;
	v1 =	vmul.f32 $1.131370830e+01, v1  }
0x93: {  	v6 =	vld [tilespmem:s31+$0xFFFFFFA0];
	[tilespmem:s29+$0x40] =	vst v0;
	v0 =	vmul.f32 $1.131370830e+01, v3  }
0x94: {  	v3 =	vld [tilespmem:s31+$0xFFFFFFB0];
	[tilespmem:s29+$0x50] =	vst v1;
	v1 =	vmul.f32 $1.131370830e+01, v4  }
0x95: {  	v4 =	vld [tilespmem:s31+$0xFFFFFFC0];
	v2 =	vmul.f32 $1.131370830e+01, v2;
	[tilespmem:s29+$0x60] =	vst v0  }
0x96: {  	v0 =	vmul.f32 $1.131370830e+01, v7;
	v7 =	vld [tilespmem:s31+$0xFFFFFFD0];
	[tilespmem:s29+$0x70] =	vst v1  }
0x97: {  	v1 =	vmul.f32 $1.131370830e+01, v5;
	v5 =	vld [tilespmem:s31+$0xFFFFFFE0];
	[tilespmem:s29+$0xFFFFFFF0] =	vst v2;
	s29 =	smov.u32 s31  }
0x98: {  	[tilespmem:s31+$0xFFFFFF80] =	vst v0;
	v0 =	vmul.f32 $1.131370830e+01, v6;
	v2 =	vld [tilespmem:s31+$0x0]  }
0x99: {  	[tilespmem:s31+$0xFFFFFF90] =	vst v1;
	v1 =	vmul.f32 $1.131370830e+01, v3;
	v3 =	vld [tilespmem:s31+$0x10]  }
0x9a: {  	s30 =	sadd.s32 $0x2, s30;
	[tilespmem:s31+$0xFFFFFFA0] =	vst v0;
	v0 =	vmul.f32 $1.131370830e+01, v4;
	v4 =	vld [tilespmem:s31+$0x20]  }
0x9b: {  	p1 =	slt.u32 s30, $0x7E;
	[tilespmem:s31+$0xFFFFFFB0] =	vst v1;
	v1 =	vmul.f32 $1.131370830e+01, v7;
	v6 =	vld [tilespmem:s31+$0x30]  }
.Ltmp2:
0x9c: {  	[tilespmem:s31+$0xFFFFFFC0] =	vst v0;
	v5 =	vmul.f32 $1.131370830e+01, v5;
	v0 =	vld [tilespmem:s31+$0x40];
	(pc) =	sbr.rel @p1 .LBB2_7-.Ltmp2, $4  }
0x9d: {  	[tilespmem:s31+$0xFFFFFFD0] =	vst v1;
	v2 =	vmul.f32 $1.131370830e+01, v2;
	v1 =	vld [tilespmem:s31+$0x50]  }
0x9e: {  	[tilespmem:s31+$0xFFFFFFE0] =	vst v5;
	v7 =	vmul.f32 $1.131370830e+01, v3;
	v3 =	vld [tilespmem:s31+$0x60]  }
0x9f: {  	[tilespmem:s31+$0x0] =	vst v2;
	v5 =	vmul.f32 $1.131370830e+01, v4;
	v4 =	vld [tilespmem:s31+$0x70]  }
0xa0: {  	s31 =	sadd.s32 $0x100, s31;
	v2 =	vld [tilespmem:s29+$0xFFFFFFF0];
	[tilespmem:s29+$0x10] =	vst v7;
	v6 =	vmul.f32 $1.131370830e+01, v6  }
0xa1: {  	[tilespmem:s29+$0x20] =	vst v5;
	v0 =	vmul.f32 $1.131370830e+01, v0  }
0xa2: {  	[tilespmem:s29+$0x30] =	vst v6;
	v1 =	vmul.f32 $1.131370830e+01, v1  }
0xa3: {  	[tilespmem:s29+$0x40] =	vst v0;
	v0 =	vmul.f32 $1.131370830e+01, v3  }
0xa4: {  	[tilespmem:s29+$0x50] =	vst v1;
	v1 =	vmul.f32 $1.131370830e+01, v4  }
0xa5: {  	s30 =	sadd.s32 s26, s8;
	v2 =	vmul.f32 $1.131370830e+01, v2;
	[tilespmem:s29+$0x60] =	vst v0  }
0xa6: {  	s30 =	sshll.u32 s30, $0x4;
	[tilespmem:s29+$0x70] =	vst v1  }
0xa7: {  	[tilespmem:s29+$0xFFFFFFF0] =	vst v2;
	s29 =	sadd.s32 s3, s30  }
0xa8: {  	[hbm4b:s29+s5] =	stream.linear.scatter [tilespmem:s17], [sflag:$0x2], $0x4000, $0x38;
	[tilespmem:$0x15900] =	vst v63  }
0xa9: {  	_ =	swait.ge [sflag:s20], $0x4000  }
0xaa: {  	[sflag:s20] =	ssyncset.done $0x0  }
0xab: {  	s29 =	simm.s32 @!p0 $0x2;
	[sflag:s20] =	ssyncadd.s32 $0xFFFFC000  }
0xac: {  	_ =	swait.ge @!p0 [sflag:s29], $0x4000  }
0xad: {  	s31 =	simm.s32 @!p0 $0x9900;
	[sflag:s29] =	ssyncset.done @!p0 $0x0  }
0xae: {  	s30 =	simm.s32 @!p0 $0x80;
	[sflag:s29] =	ssyncadd.s32 @!p0 $0xFFFFC000;
	s29 =	sadd.s32 @!p0 $0x380, s28  }
0xaf: {  	[tilespmem:s31], [sflag:$0x1] =	stream.indirect.gather @!p0 [hbm4b:s2+s30], $0x80, s29, s30, $0xb8;
	[tilespmem:$0x15900] =	vst v63  }
0xb0: {  	s29 =	simm.s32 $0xD980  }
0xb1: {  	v0 =	vld [tilespmem:s29+$0xFFFFFF80]  }
0xb2: {  	v1 =	vld [tilespmem:s29+$0xFFFFFF90]  }
0xb3: {  	v2 =	vld [tilespmem:s29+$0xFFFFFFA0]  }
0xb4: {  	v3 =	vld [tilespmem:s29+$0xFFFFFFB0]  }
0xb5: {  	v4 =	vld [tilespmem:s29+$0xFFFFFFC0]  }
0xb6: {  	v5 =	vld [tilespmem:s29+$0xFFFFFFD0];
	v0 =	vmul.f32 $1.131370830e+01, v0  }
0xb7: {  	v6 =	vld [tilespmem:s29+$0xFFFFFFE0];
	v1 =	vmul.f32 $1.131370830e+01, v1  }
0xb8: {  	[tilespmem:s29+$0xFFFFFF80] =	vst v0;
	v0 =	vmul.f32 $1.131370830e+01, v2;
	v2 =	vld [tilespmem:s29+$0x0]  }
0xb9: {  	[tilespmem:s29+$0xFFFFFF90] =	vst v1;
	v1 =	vmul.f32 $1.131370830e+01, v3;
	v3 =	vld [tilespmem:s29+$0x10]  }
0xba: {  	[tilespmem:s29+$0xFFFFFFA0] =	vst v0;
	v0 =	vmul.f32 $1.131370830e+01, v4;
	v4 =	vld [tilespmem:s29+$0x20]  }
0xbb: {  	v7 =	vld [tilespmem:s29+$0x30];
	[tilespmem:s29+$0xFFFFFFB0] =	vst v1;
	v1 =	vmul.f32 $1.131370830e+01, v5  }
0xbc: {  	v5 =	vmul.f32 $1.131370830e+01, v6;
	[tilespmem:s29+$0xFFFFFFC0] =	vst v0;
	v0 =	vld [tilespmem:s29+$0x40]  }
0xbd: {  	[tilespmem:s29+$0xFFFFFFD0] =	vst v1;
	v1 =	vld [tilespmem:s29+$0x50];
	v2 =	vmul.f32 $1.131370830e+01, v2  }
0xbe: {  	[tilespmem:s29+$0xFFFFFFE0] =	vst v5;
	v6 =	vmul.f32 $1.131370830e+01, v3;
	v3 =	vld [tilespmem:s29+$0x60]  }
0xbf: {  	[tilespmem:s29+$0x0] =	vst v2;
	v5 =	vmul.f32 $1.131370830e+01, v4;
	v4 =	vld [tilespmem:s29+$0x70]  }
0xc0: {  	s30 =	simm.s32 $0x0;
	s31 =	simm.s32 $0xDA80;
	v2 =	vld [tilespmem:s29+$0xFFFFFFF0];
	[tilespmem:s29+$0x10] =	vst v6;
	v6 =	vmul.f32 $1.131370830e+01, v7  }
.LBB2_9:
0xc1: {  	v7 =	vld [tilespmem:s31+$0xFFFFFF80];
	[tilespmem:s29+$0x20] =	vst v5;
	v0 =	vmul.f32 $1.131370830e+01, v0  }
0xc2: {  	v5 =	vld [tilespmem:s31+$0xFFFFFF90];
	[tilespmem:s29+$0x30] =	vst v6;
	v1 =	vmul.f32 $1.131370830e+01, v1  }
0xc3: {  	v6 =	vld [tilespmem:s31+$0xFFFFFFA0];
	[tilespmem:s29+$0x40] =	vst v0;
	v0 =	vmul.f32 $1.131370830e+01, v3  }
0xc4: {  	v3 =	vld [tilespmem:s31+$0xFFFFFFB0];
	[tilespmem:s29+$0x50] =	vst v1;
	v1 =	vmul.f32 $1.131370830e+01, v4  }
0xc5: {  	v4 =	vld [tilespmem:s31+$0xFFFFFFC0];
	v2 =	vmul.f32 $1.131370830e+01, v2;
	[tilespmem:s29+$0x60] =	vst v0  }
0xc6: {  	v0 =	vmul.f32 $1.131370830e+01, v7;
	v7 =	vld [tilespmem:s31+$0xFFFFFFD0];
	[tilespmem:s29+$0x70] =	vst v1  }
0xc7: {  	v1 =	vmul.f32 $1.131370830e+01, v5;
	v5 =	vld [tilespmem:s31+$0xFFFFFFE0];
	[tilespmem:s29+$0xFFFFFFF0] =	vst v2;
	s29 =	smov.u32 s31  }
0xc8: {  	[tilespmem:s31+$0xFFFFFF80] =	vst v0;
	v0 =	vmul.f32 $1.131370830e+01, v6;
	v2 =	vld [tilespmem:s31+$0x0]  }
0xc9: {  	[tilespmem:s31+$0xFFFFFF90] =	vst v1;
	v1 =	vmul.f32 $1.131370830e+01, v3;
	v3 =	vld [tilespmem:s31+$0x10]  }
0xca: {  	s30 =	sadd.s32 $0x2, s30;
	[tilespmem:s31+$0xFFFFFFA0] =	vst v0;
	v0 =	vmul.f32 $1.131370830e+01, v4;
	v4 =	vld [tilespmem:s31+$0x20]  }
0xcb: {  	p1 =	slt.u32 s30, $0x7E;
	[tilespmem:s31+$0xFFFFFFB0] =	vst v1;
	v1 =	vmul.f32 $1.131370830e+01, v7;
	v6 =	vld [tilespmem:s31+$0x30]  }
.Ltmp3:
0xcc: {  	[tilespmem:s31+$0xFFFFFFC0] =	vst v0;
	v5 =	vmul.f32 $1.131370830e+01, v5;
	v0 =	vld [tilespmem:s31+$0x40];
	(pc) =	sbr.rel @p1 .LBB2_9-.Ltmp3, $4  }
0xcd: {  	[tilespmem:s31+$0xFFFFFFD0] =	vst v1;
	v2 =	vmul.f32 $1.131370830e+01, v2;
	v1 =	vld [tilespmem:s31+$0x50]  }
0xce: {  	[tilespmem:s31+$0xFFFFFFE0] =	vst v5;
	v7 =	vmul.f32 $1.131370830e+01, v3;
	v3 =	vld [tilespmem:s31+$0x60]  }
0xcf: {  	[tilespmem:s31+$0x0] =	vst v2;
	v5 =	vmul.f32 $1.131370830e+01, v4;
	v4 =	vld [tilespmem:s31+$0x70]  }
0xd0: {  	s31 =	sadd.s32 $0x100, s31;
	v2 =	vld [tilespmem:s29+$0xFFFFFFF0];
	[tilespmem:s29+$0x10] =	vst v7;
	v6 =	vmul.f32 $1.131370830e+01, v6  }
0xd1: {  	[tilespmem:s29+$0x20] =	vst v5;
	v0 =	vmul.f32 $1.131370830e+01, v0  }
0xd2: {  	[tilespmem:s29+$0x30] =	vst v6;
	v1 =	vmul.f32 $1.131370830e+01, v1  }
0xd3: {  	[tilespmem:s29+$0x40] =	vst v0;
	v0 =	vmul.f32 $1.131370830e+01, v3  }
0xd4: {  	[tilespmem:s29+$0x50] =	vst v1;
	v1 =	vmul.f32 $1.131370830e+01, v4  }
0xd5: {  	s26 =	sadd.s32 s26, s9;
	v2 =	vmul.f32 $1.131370830e+01, v2;
	[tilespmem:s29+$0x60] =	vst v0  }
0xd6: {  	s26 =	sshll.u32 s26, $0x4;
	[tilespmem:s29+$0x70] =	vst v1  }
0xd7: {  	s26 =	sadd.s32 s3, s26;
	[tilespmem:s29+$0xFFFFFFF0] =	vst v2  }
0xd8: {  	[hbm4b:s26+s5] =	stream.linear.scatter [tilespmem:s19], [sflag:$0x2], $0x4000, $0x38;
	[tilespmem:$0x15900] =	vst v63  }
0xd9: {  	_ =	swait.ge [sflag:s20], $0x4000  }
0xda: {  	[sflag:s20] =	ssyncset.done $0x0  }
0xdb: {  	s26 =	simm.s32 @!p0 $0x2;
	[sflag:s20] =	ssyncadd.s32 $0xFFFFC000  }
0xdc: {  	_ =	swait.ge @!p0 [sflag:s26], $0x4000  }
0xdd: {  	s29 =	simm.s32 @!p0 $0xD900;
	[sflag:s26] =	ssyncset.done @!p0 $0x0  }
0xde: {  	[sflag:s26] =	ssyncadd.s32 @!p0 $0xFFFFC000;
	s26 =	sadd.s32 @!p0 $0x400, s28;
	s28 =	simm.s32 @!p0 $0x80  }
0xdf: {  	[tilespmem:s29], [sflag:$0x1] =	stream.indirect.gather @!p0 [hbm4b:s2+s28], $0x80, s26, s28, $0xb8;
	[tilespmem:$0x15900] =	vst v63  }
0xe0: {  	s26 =	simm.s32 $0x11980  }
0xe1: {  	v0 =	vld [tilespmem:s26+$0xFFFFFF80]  }
0xe2: {  	v1 =	vld [tilespmem:s26+$0xFFFFFF90]  }
0xe3: {  	v2 =	vld [tilespmem:s26+$0xFFFFFFA0]  }
0xe4: {  	v3 =	vld [tilespmem:s26+$0xFFFFFFB0]  }
0xe5: {  	v4 =	vld [tilespmem:s26+$0xFFFFFFC0]  }
0xe6: {  	v5 =	vld [tilespmem:s26+$0xFFFFFFD0];
	v0 =	vmul.f32 $1.131370830e+01, v0  }
0xe7: {  	v6 =	vld [tilespmem:s26+$0xFFFFFFE0];
	v1 =	vmul.f32 $1.131370830e+01, v1  }
0xe8: {  	[tilespmem:s26+$0xFFFFFF80] =	vst v0;
	v0 =	vmul.f32 $1.131370830e+01, v2;
	v2 =	vld [tilespmem:s26+$0x0]  }
0xe9: {  	[tilespmem:s26+$0xFFFFFF90] =	vst v1;
	v1 =	vmul.f32 $1.131370830e+01, v3;
	v3 =	vld [tilespmem:s26+$0x10]  }
0xea: {  	[tilespmem:s26+$0xFFFFFFA0] =	vst v0;
	v0 =	vmul.f32 $1.131370830e+01, v4;
	v4 =	vld [tilespmem:s26+$0x20]  }
0xeb: {  	v7 =	vld [tilespmem:s26+$0x30];
	[tilespmem:s26+$0xFFFFFFB0] =	vst v1;
	v1 =	vmul.f32 $1.131370830e+01, v5  }
0xec: {  	v5 =	vmul.f32 $1.131370830e+01, v6;
	[tilespmem:s26+$0xFFFFFFC0] =	vst v0;
	v0 =	vld [tilespmem:s26+$0x40]  }
0xed: {  	[tilespmem:s26+$0xFFFFFFD0] =	vst v1;
	v1 =	vmul.f32 $1.131370830e+01, v2;
	v2 =	vld [tilespmem:s26+$0x50]  }
0xee: {  	[tilespmem:s26+$0xFFFFFFE0] =	vst v5;
	v6 =	vmul.f32 $1.131370830e+01, v3;
	v3 =	vld [tilespmem:s26+$0x60]  }
0xef: {  	[tilespmem:s26+$0x0] =	vst v1;
	v5 =	vmul.f32 $1.131370830e+01, v4;
	v4 =	vld [tilespmem:s26+$0x70]  }
0xf0: {  	s28 =	simm.s32 $0x0;
	s29 =	simm.s32 $0x11A80;
	v1 =	vld [tilespmem:s26+$0xFFFFFFF0];
	[tilespmem:s26+$0x10] =	vst v6;
	v6 =	vmul.f32 $1.131370830e+01, v7  }
.LBB2_11:
0xf1: {  	v7 =	vld [tilespmem:s29+$0xFFFFFF80];
	[tilespmem:s26+$0x20] =	vst v5;
	v0 =	vmul.f32 $1.131370830e+01, v0  }
0xf2: {  	v5 =	vld [tilespmem:s29+$0xFFFFFF90];
	[tilespmem:s26+$0x30] =	vst v6;
	v2 =	vmul.f32 $1.131370830e+01, v2  }
0xf3: {  	v6 =	vld [tilespmem:s29+$0xFFFFFFA0];
	[tilespmem:s26+$0x40] =	vst v0;
	v0 =	vmul.f32 $1.131370830e+01, v3  }
0xf4: {  	v3 =	vld [tilespmem:s29+$0xFFFFFFB0];
	[tilespmem:s26+$0x50] =	vst v2;
	v2 =	vmul.f32 $1.131370830e+01, v4  }
0xf5: {  	v4 =	vld [tilespmem:s29+$0xFFFFFFC0];
	v1 =	vmul.f32 $1.131370830e+01, v1;
	[tilespmem:s26+$0x60] =	vst v0  }
0xf6: {  	v0 =	vmul.f32 $1.131370830e+01, v7;
	v7 =	vld [tilespmem:s29+$0xFFFFFFD0];
	[tilespmem:s26+$0x70] =	vst v2  }
0xf7: {  	v2 =	vmul.f32 $1.131370830e+01, v5;
	v5 =	vld [tilespmem:s29+$0xFFFFFFE0];
	[tilespmem:s26+$0xFFFFFFF0] =	vst v1;
	s26 =	smov.u32 s29  }
0xf8: {  	[tilespmem:s29+$0xFFFFFF80] =	vst v0;
	v0 =	vmul.f32 $1.131370830e+01, v6;
	v1 =	vld [tilespmem:s29+$0x0]  }
0xf9: {  	[tilespmem:s29+$0xFFFFFF90] =	vst v2;
	v2 =	vmul.f32 $1.131370830e+01, v3;
	v3 =	vld [tilespmem:s29+$0x10]  }
0xfa: {  	s28 =	sadd.s32 $0x2, s28;
	[tilespmem:s29+$0xFFFFFFA0] =	vst v0;
	v0 =	vmul.f32 $1.131370830e+01, v4;
	v4 =	vld [tilespmem:s29+$0x20]  }
0xfb: {  	p0 =	slt.u32 s28, $0x7E;
	[tilespmem:s29+$0xFFFFFFB0] =	vst v2;
	v2 =	vmul.f32 $1.131370830e+01, v7;
	v6 =	vld [tilespmem:s29+$0x30]  }
.Ltmp4:
0xfc: {  	[tilespmem:s29+$0xFFFFFFC0] =	vst v0;
	v5 =	vmul.f32 $1.131370830e+01, v5;
	v0 =	vld [tilespmem:s29+$0x40];
	(pc) =	sbr.rel @p0 .LBB2_11-.Ltmp4, $4  }
0xfd: {  	[tilespmem:s29+$0xFFFFFFD0] =	vst v2;
	v1 =	vmul.f32 $1.131370830e+01, v1;
	v2 =	vld [tilespmem:s29+$0x50]  }
0xfe: {  	[tilespmem:s29+$0xFFFFFFE0] =	vst v5;
	v7 =	vmul.f32 $1.131370830e+01, v3;
	v3 =	vld [tilespmem:s29+$0x60]  }
0xff: {  	[tilespmem:s29+$0x0] =	vst v1;
	v5 =	vmul.f32 $1.131370830e+01, v4;
	v4 =	vld [tilespmem:s29+$0x70]  }
0x100: {  	s29 =	sadd.s32 $0x100, s29;
	v1 =	vld [tilespmem:s26+$0xFFFFFFF0];
	[tilespmem:s26+$0x10] =	vst v7;
	v6 =	vmul.f32 $1.131370830e+01, v6  }
0x101: {  	[tilespmem:s26+$0x20] =	vst v5;
	v0 =	vmul.f32 $1.131370830e+01, v0  }
0x102: {  	s24 =	sadd.s32 $0x1, s24;
	[tilespmem:s26+$0x30] =	vst v6;
	v2 =	vmul.f32 $1.131370830e+01, v2  }
0x103: {  	p0 =	sne.s32 s24, $0xA;
	[tilespmem:s26+$0x40] =	vst v0;
	v62 =	vmul.f32 $1.131370830e+01, v3  }
.Ltmp5:
0x104: {  	s25 =	sshll.u32 s25, $0xE;
	[tilespmem:s26+$0x50] =	vst v2;
	v63 =	vmul.f32 $1.131370830e+01, v4;
	(pc) =	sbr.rel @p0 .LBB2_2-.Ltmp5, $4  }
0x105: {  	s25 =	sadd.s32 s10, s25;
	v1 =	vmul.f32 $1.131370830e+01, v1;
	[tilespmem:s26+$0x60] =	vst v62  }
0x106: {  	s25 =	sshrl.u32 s25, $0x3;
	[tilespmem:s26+$0x70] =	vst v63  }
0x107: {  	s25 =	sadd.s32 s3, s25;
	[tilespmem:s26+$0xFFFFFFF0] =	vst v1  }
0x108: {  	[hbm4b:s25+s5] =	stream.linear.scatter [tilespmem:s21], [sflag:$0x2], $0x4000, $0x38;
	[tilespmem:$0x15900] =	vst v63  }
0x109: {  	_ =	swait.ge [sflag:s22], $0x4000  }
0x10a: {  	[sflag:s22] =	ssyncset.done $0x0  }
0x10b: {  	[sflag:s22] =	ssyncadd.s32 $0xFFFFC000  }
0x10c: {  	_ =	swait.ge [sflag:s22], $0x4000  }
0x10d: {  	[sflag:s22] =	ssyncset.done $0x0  }
0x10e: {  	[sflag:s22] =	ssyncadd.s32 $0xFFFFC000  }
0x10f: {  	_ =	swait.ge [sflag:s22], $0x4000  }
0x110: {  	[sflag:s22] =	ssyncset.done $0x0  }
0x111: {  	s23 =	sadd.s32 $0x1, s23;
	[sflag:s22] =	ssyncadd.s32 $0xFFFFC000  }
0x112: {  	p0 =	sne.s32 s23, s11;
	_ =	swait.ge [sflag:s22], $0x4000  }
.Ltmp6:
0x113: {  	[sflag:s22] =	ssyncset.done $0x0;
	(pc) =	sbr.rel @p0 .LBB2_1-.Ltmp6, $4  }
0x114: {  	[sflag:s22] =	ssyncadd.s32 $0xFFFFC000  }
0x115: {  	_ =	swait.ge [sflag:s22], $0x4000  }
0x116: {  	[sflag:s22] =	ssyncset.done $0x0  }
0x117: {  	[sflag:s22] =	ssyncadd.s32 $0xFFFFC000  }
0x118: {  	_ =	sfence.sel $0x180000  }
0x119: {  	[bflag:$0x0] =	sbarrier.arrive $0xFFFF  }
0x11a: {  	p0 =	sne.s32 s0, $0x0;
	_ =	strace $0x90000047  }
0x11b: {  	s0 =	sadd.s32 @!p0 $0x100000, s1;
	[bflag:$0x2] =	sbarrier.arrive $0xFFFF  }
0x11c: {  	[sflag:s0] =	ssyncadd.tile.s32 @!p0 $0x1;
	_ =	shalt  }
.Lfunc_end2:
_tile_overlayer_lowered:
.L_overlay_start_2:
0x11d: {  	(tag) =	ssettag $0x2  }
0x11e: {  	s0 =	rddreg [dreg:$0x0];
	s2 =	stileid.u32  }
0x11f: {  	s1 =	rddreg [dreg:$0x1];
	p0 =	sne.s32 s2, $0x0  }
0x120: {  	s3 =	rddreg [dreg:$0x2];
	[bflag:$0x3] =	sbarrier.arrive $0xFFFF;
	s2 =	simm.s32 @!p0 $0x1C03  }
0x121: {  	[timem:s3], [sflag:s2] =	dma.local @!p0 [hbm:s0], s1  }
0x122: {  	s0 =	simm.s32 @!p0 $0x3  }
0x123: {  	_ =	swait.ge @!p0 [sflag:s0], s1  }
0x124: {  	s1 =	ssub.s32 @!p0 $0x0, s1;
	[sflag:s0] =	ssyncset.done @!p0 $0x0  }
0x125: {  	[sflag:s0] =	ssyncadd.s32 @!p0 s1  }
0x126: {  	[bflag:$0x3] =	sbarrier.arrive $0xFFFF  }
0x127: {  	_ =	shalt  }

</sc_bundles>
